<compile_context>
chip_gen: v7x
topology: tpu7x:2x2x1
jax: 0.10.2.dev20260603
libtpu: 0.0.44.dev20260713+nightly
codegen_flags: <defaults>
</compile_context>

<pallas_src>
import functools

import jax
import jax.numpy as jnp
from jax import lax
from jax.experimental import pallas as pl
from jax.experimental.pallas import tpu as pltpu
from jax.experimental.pallas import tpu_sc as plsc

B, C, H, W = 8, 3, 512, 512
N = B * H * W

NC, NS, L = 2, 16, 16
NW = NC * NS
PER_TILE = N // NW
CHUNK = 16384
NCHUNKS = PER_TILE // CHUNK
UNROLL = 16

HR, HC = 512, 128


def _combo_body(img_ref, out_ref):
    x = img_ref[0]
    r, g, b = x[0], x[1], x[2]
    gray = (r * jnp.float32(0.299) + g * jnp.float32(0.587)) + b * jnp.float32(0.114)
    bits = lax.bitcast_convert_type(gray, jnp.uint32)
    combo = jnp.where(
        (r + g + b) > jnp.float32(1.5), bits, bits | jnp.uint32(0x80000000)
    )
    out_ref[...] = combo.reshape(out_ref.shape)


def _make_combo(img):
    rows = 256
    grid = (B, H // rows)
    return pl.pallas_call(
        _combo_body,
        grid=grid,
        in_specs=[pl.BlockSpec((1, C, rows, W), lambda i, j: (i, 0, j, 0))],
        out_specs=pl.BlockSpec((rows * 4, 128), lambda i, j: (i * 2 + j, 0)),
        out_shape=jax.ShapeDtypeStruct((N // 128, 128), jnp.uint32),
    )(img)


def _zero_2d(hist_v, nrows):
    z = jnp.zeros((L,), jnp.int32)

    def zb(r, _):
        for j in range(HC // L):
            hist_v[r, pl.ds(j * L, L)] = z
        return 0

    lax.fori_loop(0, nrows, zb, 0)


def _hist_scan(combo_hbm, base, stages, sems, bin_fn):

    def start(ci):
        return pltpu.async_copy(
            combo_hbm.at[pl.ds(base + ci * CHUNK, CHUNK)],
            stages[ci % 2],
            sems[ci % 2],
        )

    handles = [start(0), None]
    for ci in range(NCHUNKS):
        if ci + 1 < NCHUNKS:
            handles[(ci + 1) % 2] = start(ci + 1)
        handles[ci % 2].wait()
        st = stages[ci % 2]

        @plsc.parallel_loop(0, CHUNK // L, step=1, unroll=UNROLL)
        def _(vi):
            bin_fn(st[pl.ds(vi * L, L)])


def _sc_hist_top_body(combo_hbm, out_hbm, stage0, stage1, hist_v, sem0, sem1):
    wid = lax.axis_index("s") * NC + lax.axis_index("c")
    base = wid * PER_TILE

    _zero_2d(hist_v, HR)

    ones = jnp.ones((L,), jnp.int32)

    def bin_fn(k16):
        bins = lax.convert_element_type(k16 >> 16, jnp.int32)
        plsc.addupdate_scatter(hist_v, [bins >> 7, bins & 127], ones)

    _hist_scan(combo_hbm, base, (stage0, stage1), (sem0, sem1), bin_fn)
    pltpu.sync_copy(hist_v, out_hbm.at[wid])


def _sc_hist_low_body(
    combo_hbm, bsel_hbm, out_hbm, stage0, stage1, hist_v, brow_v, sem0, sem1
):
    wid = lax.axis_index("s") * NC + lax.axis_index("c")
    base = wid * PER_TILE

    _zero_2d(hist_v, HR + 8)
    pltpu.sync_copy(bsel_hbm.at[0], brow_v)
    bv = brow_v[pl.ds(0, L)]
    btop = lax.convert_element_type(bv, jnp.uint32) << 16
    junk = jnp.full((L,), 65536, jnp.uint32)
    ones = jnp.ones((L,), jnp.int32)

    def bin_fn(k16):
        diff = k16 ^ btop
        flat = lax.convert_element_type(jnp.minimum(diff, junk), jnp.int32)
        plsc.addupdate_scatter(
            hist_v, [flat >> 7, flat & 127], ones, mask=diff < junk
        )

    _hist_scan(combo_hbm, base, (stage0, stage1), (sem0, sem1), bin_fn)
    pltpu.sync_copy(hist_v.at[pl.ds(0, HR)], out_hbm.at[wid])


@functools.cache
def _sc_kernels():
    mesh = plsc.VectorSubcoreMesh(core_axis_name="c", subcore_axis_name="s")
    params = pltpu.CompilerParams(needs_layout_passes=False)
    hist_top = pl.kernel(
        _sc_hist_top_body,
        out_type=jax.ShapeDtypeStruct((NW, HR, HC), jnp.int32),
        mesh=mesh,
        compiler_params=params,
        scratch_types=[
            pltpu.VMEM((CHUNK,), jnp.uint32),
            pltpu.VMEM((CHUNK,), jnp.uint32),
            pltpu.VMEM((HR, HC), jnp.int32),
            pltpu.SemaphoreType.DMA,
            pltpu.SemaphoreType.DMA,
        ],
    )
    hist_low = pl.kernel(
        _sc_hist_low_body,
        out_type=jax.ShapeDtypeStruct((NW, HR, HC), jnp.int32),
        mesh=mesh,
        compiler_params=params,
        scratch_types=[
            pltpu.VMEM((CHUNK,), jnp.uint32),
            pltpu.VMEM((CHUNK,), jnp.uint32),
            pltpu.VMEM((HR + 8, HC), jnp.int32),
            pltpu.VMEM((128,), jnp.int32),
            pltpu.SemaphoreType.DMA,
            pltpu.SemaphoreType.DMA,
        ],
    )
    return hist_top, hist_low


def _cumsum_flat(h):
    x = h
    for d in (1, 2, 4, 8, 16, 32, 64):
        x = x + jnp.concatenate(
            [jnp.zeros((HR, d), jnp.int32), x[:, : HC - d]], axis=1
        )
    rs = x[:, HC - 1 : HC]
    ro = rs
    for d in (1, 2, 4, 8, 16, 32, 64, 128, 256):
        ro = ro + jnp.concatenate(
            [jnp.zeros((d, 1), jnp.int32), ro[: HR - d, :]], axis=0
        )
    return x + (ro - rs)


def _sel_top_body(h_ref, bsel_ref, meta_ref):
    h = jnp.sum(h_ref[...], axis=0)
    cum = _cumsum_flat(h)
    row = lax.broadcasted_iota(jnp.int32, (HR, HC), 0)
    col = lax.broadcasted_iota(jnp.int32, (HR, HC), 1)
    flat = row * HC + col
    n = jnp.sum(jnp.where(flat < 32768, h, 0))
    k = lax.div(n - 1, jnp.int32(2))
    le = cum <= k
    b = jnp.sum(le.astype(jnp.int32))
    excl = jnp.max(jnp.where(le, cum, 0))
    r = k - excl
    bsel_ref[...] = jnp.zeros((8, 128), jnp.int32) + b
    riota = lax.broadcasted_iota(jnp.int32, (8, 128), 0)
    meta_ref[...] = jnp.where(riota == 0, r, n)


def _select_top(h1):
    return pl.pallas_call(
        _sel_top_body,
        in_specs=[pl.BlockSpec((NW, HR, HC), lambda: (0, 0, 0))],
        out_specs=[
            pl.BlockSpec((8, 128), lambda: (0, 0)),
            pl.BlockSpec((8, 128), lambda: (0, 0)),
        ],
        out_shape=[
            jax.ShapeDtypeStruct((8, 128), jnp.int32),
            jax.ShapeDtypeStruct((8, 128), jnp.int32),
        ],
    )(h1)


def _eq_body(h2_ref, bsel_ref, meta_ref, combo_ref, out_ref, med_sm):
    i = pl.program_id(0)
    j = pl.program_id(1)

    @pl.when((i == 0) & (j == 0))
    def _():
        h = jnp.sum(h2_ref[...], axis=0)
        cum = _cumsum_flat(h)
        r = meta_ref[0, 0]
        n = meta_ref[1, 0]
        b = bsel_ref[0, 0]
        c = jnp.sum((cum <= r).astype(jnp.int32))
        med_sm[0] = jnp.where(n == 0, jnp.int32(-1), (b << 16) | c)

    med = med_sm[0]
    bits = lax.bitcast_convert_type(
        combo_ref[...] & jnp.uint32(0x7FFFFFFF), jnp.int32
    )
    out_ref[0] = (bits == med).astype(jnp.int32).reshape(out_ref.shape[1:])


def _compare(h2, bsel, meta, combo):
    rows = 256
    grid = (B, H // rows)
    return pl.pallas_call(
        _eq_body,
        grid=grid,
        in_specs=[
            pl.BlockSpec((NW, HR, HC), lambda i, j: (0, 0, 0)),
            pl.BlockSpec((8, 128), lambda i, j: (0, 0)),
            pl.BlockSpec((8, 128), lambda i, j: (0, 0)),
            pl.BlockSpec((rows * 4, 128), lambda i, j: (i * 2 + j, 0)),
        ],
        out_specs=pl.BlockSpec((1, rows, W), lambda i, j: (i, j, 0)),
        out_shape=jax.ShapeDtypeStruct((B, H, W), jnp.int32),
        scratch_shapes=[pltpu.SMEM((1,), jnp.int32)],
    )(h2, bsel, meta, combo)


def kernel(img):
    hist_top, hist_low = _sc_kernels()
    combo = _make_combo(img)
    combo_flat = combo.reshape(N)
    h1 = hist_top(combo_flat)
    bsel, meta = _select_top(h1)
    h2 = hist_low(combo_flat, bsel)
    res = _compare(h2, bsel, meta, combo)
    return res.reshape(B, 1, H, W)

# --- scband reference (transcript-rebuilt; emitter-appended) ---
"""Pipeline reference for scband-median-pixel-filter-91173565759807 (READ-ONLY COPY).

The authoritative reference and input builder live on the scoring server;
editing this copy changes nothing except your own understanding.
"""

import jax, jax.numpy as jnp
import numpy as np

_GRAY_W = np.array([0.299, 0.587, 0.114], dtype=np.float32)


def _rgb_to_grayscale(img):
    w = jnp.asarray(_GRAY_W, dtype=img.dtype)
    return jnp.sum(img * w[None, :, None, None], axis=1, keepdims=True)


def _binary_filter(img):
    # stand-in for the injected nn.Module: per-pixel mean-intensity threshold at 0.5
    return jnp.mean(img, axis=1, keepdims=True) > 0.5


def setup_inputs(seed: int = 0) -> dict:
    key = jax.random.key(seed)
    img = jax.random.uniform(key, (8, 3, 512, 512), dtype=jnp.float32)
    return {"img": img}


def reference(img):
    bin_mask = _binary_filter(img)            # bool [B,1,H,W]
    gray_img = _rgb_to_grayscale(img)         # [B,1,H,W]
    flat_mask = bin_mask.ravel()
    flat_gray = gray_img.ravel()
    masked = jnp.where(flat_mask, flat_gray, jnp.inf)
    s = jnp.sort(masked)
    n = jnp.sum(flat_mask)
    median_pixel = s[(n - 1) // 2]            # torch.median semantics: lower middle element
    res = jnp.where(gray_img == median_pixel, 1, 0).astype(jnp.int32)
    return res

if __name__ == "__main__":
    import jax
    _d = setup_inputs()
    print(jax.jit(kernel)(*tuple(_d.values())))

</pallas_src>

<mosaic_0001>
#map = affine_map<(d0, d1) -> (0)>
#map1 = affine_map<(d0, d1) -> (0, 0, 0)>
module attributes {stable_mosaic.version = 14 : i64} {
  func.func @_sc_hist_top_body(%arg0: i32, %arg1: i32, %arg2: memref<2097152xi32, #tpu.memory_space<hbm>>, %arg3: memref<32x512x128xi32, #tpu.memory_space<hbm>>, %arg4: memref<16384xi32, #tpu.memory_space<vmem>>, %arg5: memref<16384xi32, #tpu.memory_space<vmem>>, %arg6: memref<512x128xi32, #tpu.memory_space<vmem>>, %arg7: memref<!tpu.dma_semaphore, #tpu.memory_space<semaphore_mem>>, %arg8: memref<!tpu.dma_semaphore, #tpu.memory_space<semaphore_mem>>) attributes {dimension_semantics = [#tpu.dimension_semantics<core_parallel>, #tpu.dimension_semantics<subcore_parallel>], iteration_bounds = array<i64: 2, 16>, scalar_prefetch = 0 : i64, scratch_operands = 5 : i64, tpu.core_type = #tpu.core_type<sc_vector_subcore>, window_params = [{transform_indices = #map}, {transform_indices = #map1}]} {
    %mul3A = arith.constant 2 : i32
    %mul3A_0 = arith.muli %arg1, %mul3A : i32
    %add3A = arith.addi %mul3A_0, %arg0 : i32
    %mul3A_1 = arith.constant 65536 : i32
    %mul3A_2 = arith.muli %add3A, %mul3A_1 : i32
    %broadcast_in_dim3A = arith.constant 0 : i32
    %broadcast_in_dim3A_3 = vector.broadcast %broadcast_in_dim3A : i32 to vector<16xi32>
    %scan3A = arith.constant 0 : i32
    %scan3A_4 = arith.constant 0 : i32
    %scan3A_5 = arith.constant 512 : i32
    %scan3A_6 = arith.addi %scan3A_4, %scan3A_5 : i32
    %scan3A_7 = arith.constant 1 : i32
    %scan3A_8 = scf.for %scan3A_45 = %scan3A_4 to %scan3A_6 step %scan3A_7 iter_args(%scan3A_46 = %scan3A) -> (i32)  : i32 {
      %swap3A = arith.index_cast %scan3A_45 : i32 to index
      %swap3A_47 = arith.constant 0 : index
      %swap3A_48 = tpu.vector_load %arg6[%swap3A, %swap3A_47] {strides = array<i32>} : memref<512x128xi32, #tpu.memory_space<vmem>>, vector<16xi32>,
      tpu.vector_store %arg6[%swap3A, %swap3A_47], %broadcast_in_dim3A_3 {strides = array<i32>} : memref<512x128xi32, #tpu.memory_space<vmem>>, vector<16xi32>,
      %swap3A_49 = arith.index_cast %scan3A_45 : i32 to index
      %swap3A_50 = arith.constant 16 : index
      %swap3A_51 = tpu.vector_load %arg6[%swap3A_49, %swap3A_50] {strides = array<i32>} : memref<512x128xi32, #tpu.memory_space<vmem>>, vector<16xi32>,
      tpu.vector_store %arg6[%swap3A_49, %swap3A_50], %broadcast_in_dim3A_3 {strides = array<i32>} : memref<512x128xi32, #tpu.memory_space<vmem>>, vector<16xi32>,
      %swap3A_52 = arith.index_cast %scan3A_45 : i32 to index
      %swap3A_53 = arith.constant 32 : index
      %swap3A_54 = tpu.vector_load %arg6[%swap3A_52, %swap3A_53] {strides = array<i32>} : memref<512x128xi32, #tpu.memory_space<vmem>>, vector<16xi32>,
      tpu.vector_store %arg6[%swap3A_52, %swap3A_53], %broadcast_in_dim3A_3 {strides = array<i32>} : memref<512x128xi32, #tpu.memory_space<vmem>>, vector<16xi32>,
      %swap3A_55 = arith.index_cast %scan3A_45 : i32 to index
      %swap3A_56 = arith.constant 48 : index
      %swap3A_57 = tpu.vector_load %arg6[%swap3A_55, %swap3A_56] {strides = array<i32>} : memref<512x128xi32, #tpu.memory_space<vmem>>, vector<16xi32>,
      tpu.vector_store %arg6[%swap3A_55, %swap3A_56], %broadcast_in_dim3A_3 {strides = array<i32>} : memref<512x128xi32, #tpu.memory_space<vmem>>, vector<16xi32>,
      %swap3A_58 = arith.index_cast %scan3A_45 : i32 to index
      %swap3A_59 = arith.constant 64 : index
      %swap3A_60 = tpu.vector_load %arg6[%swap3A_58, %swap3A_59] {strides = array<i32>} : memref<512x128xi32, #tpu.memory_space<vmem>>, vector<16xi32>,
      tpu.vector_store %arg6[%swap3A_58, %swap3A_59], %broadcast_in_dim3A_3 {strides = array<i32>} : memref<512x128xi32, #tpu.memory_space<vmem>>, vector<16xi32>,
      %swap3A_61 = arith.index_cast %scan3A_45 : i32 to index
      %swap3A_62 = arith.constant 80 : index
      %swap3A_63 = tpu.vector_load %arg6[%swap3A_61, %swap3A_62] {strides = array<i32>} : memref<512x128xi32, #tpu.memory_space<vmem>>, vector<16xi32>,
      tpu.vector_store %arg6[%swap3A_61, %swap3A_62], %broadcast_in_dim3A_3 {strides = array<i32>} : memref<512x128xi32, #tpu.memory_space<vmem>>, vector<16xi32>,
      %swap3A_64 = arith.index_cast %scan3A_45 : i32 to index
      %swap3A_65 = arith.constant 96 : index
      %swap3A_66 = tpu.vector_load %arg6[%swap3A_64, %swap3A_65] {strides = array<i32>} : memref<512x128xi32, #tpu.memory_space<vmem>>, vector<16xi32>,
      tpu.vector_store %arg6[%swap3A_64, %swap3A_65], %broadcast_in_dim3A_3 {strides = array<i32>} : memref<512x128xi32, #tpu.memory_space<vmem>>, vector<16xi32>,
      %swap3A_67 = arith.index_cast %scan3A_45 : i32 to index
      %swap3A_68 = arith.constant 112 : index
      %swap3A_69 = tpu.vector_load %arg6[%swap3A_67, %swap3A_68] {strides = array<i32>} : memref<512x128xi32, #tpu.memory_space<vmem>>, vector<16xi32>,
      tpu.vector_store %arg6[%swap3A_67, %swap3A_68], %broadcast_in_dim3A_3 {strides = array<i32>} : memref<512x128xi32, #tpu.memory_space<vmem>>, vector<16xi32>,
      %scan3A_70 = arith.constant 0 : i32
      scf.yield %scan3A_70 : i32
    }
    %scan3A_9 = arith.constant 512 : i32
    %broadcast_in_dim3A_10 = arith.constant 1 : i32
    %broadcast_in_dim3A_11 = vector.broadcast %broadcast_in_dim3A_10 : i32 to vector<16xi32>
    %add3A_12 = arith.constant 0 : i32
    %add3A_13 = arith.addi %mul3A_2, %add3A_12 : i32
    %dma_start3A = tpu.memref_slice %arg2[%add3A_13] : memref<2097152xi32, #tpu.memory_space<hbm>> -> memref<16384xi32, #tpu.memory_space<hbm>>
    %dma_start3A_14 = tpu.memref_slice %arg2[%add3A_13] : memref<2097152xi32, #tpu.memory_space<hbm>> -> memref<16384xi32, #tpu.memory_space<hbm>>
    tpu.enqueue_dma source(%dma_start3A_14 : memref<16384xi32, #tpu.memory_space<hbm>>) target(%arg4 : memref<16384xi32, #tpu.memory_space<vmem>>) target_semaphore(%arg7 : memref<!tpu.dma_semaphore, #tpu.memory_space<semaphore_mem>>)
    %add3A_15 = arith.constant 16384 : i32
    %add3A_16 = arith.addi %mul3A_2, %add3A_15 : i32
    %dma_start3A_17 = tpu.memref_slice %arg2[%add3A_16] : memref<2097152xi32, #tpu.memory_space<hbm>> -> memref<16384xi32, #tpu.memory_space<hbm>>
    %dma_start3A_18 = tpu.memref_slice %arg2[%add3A_16] : memref<2097152xi32, #tpu.memory_space<hbm>> -> memref<16384xi32, #tpu.memory_space<hbm>>
    tpu.enqueue_dma source(%dma_start3A_18 : memref<16384xi32, #tpu.memory_space<hbm>>) target(%arg5 : memref<16384xi32, #tpu.memory_space<vmem>>) target_semaphore(%arg8 : memref<!tpu.dma_semaphore, #tpu.memory_space<semaphore_mem>>)
    %dma_wait3A = tpu.memref_slice %arg2[%add3A_13] : memref<2097152xi32, #tpu.memory_space<hbm>> -> memref<16384xi32, #tpu.memory_space<hbm>>
    %dma_wait3A_19 = tpu.memref_slice %arg2[%add3A_13] : memref<2097152xi32, #tpu.memory_space<hbm>> -> memref<16384xi32, #tpu.memory_space<hbm>>
    tpu.wait_dma2 semaphore(%arg7 : memref<!tpu.dma_semaphore, #tpu.memory_space<semaphore_mem>>) src(%dma_wait3A_19 : memref<16384xi32, #tpu.memory_space<hbm>>) dst(%arg4 : memref<16384xi32, #tpu.memory_space<vmem>>)
    %parallel_loop3A = arith.constant 0 : i32
    %parallel_loop3A_20 = arith.constant 1024 : i32
    %parallel_loop3A_21 = arith.constant 1 : i32
    scf.for %parallel_loop3A_45 = %parallel_loop3A to %parallel_loop3A_20 step %parallel_loop3A_21  : i32 {
      %parallel_loop3A_46 = arith.constant 16 : i32
      %parallel_loop3A_47 = arith.muli %parallel_loop3A_45, %parallel_loop3A_46 : i32
      %parallel_loop3A_48 = arith.index_cast %parallel_loop3A_47 : i32 to index
      %parallel_loop3A_49 = tpu.vector_load %arg4[%parallel_loop3A_48] {strides = array<i32>} : memref<16384xi32, #tpu.memory_space<vmem>>, vector<16xi32>,
      %parallel_loop3A_50 = arith.constant 16 : i32
      %parallel_loop3A_51 = vector.broadcast %parallel_loop3A_50 : i32 to vector<16xi32>
      %parallel_loop3A_52 = arith.shrui %parallel_loop3A_49, %parallel_loop3A_51 : vector<16xi32>
      %parallel_loop3A_53 = arith.constant 7 : i32
      %parallel_loop3A_54 = vector.broadcast %parallel_loop3A_53 : i32 to vector<16xi32>
      %parallel_loop3A_55 = arith.shrsi %parallel_loop3A_52, %parallel_loop3A_54 : vector<16xi32>
      %parallel_loop3A_56 = arith.constant 127 : i32
      %parallel_loop3A_57 = vector.broadcast %parallel_loop3A_56 : i32 to vector<16xi32>
      %parallel_loop3A_58 = arith.andi %parallel_loop3A_52, %parallel_loop3A_57 : vector<16xi32>
      tpu.vector_store_idx %arg6[%parallel_loop3A_55, %parallel_loop3A_58], %broadcast_in_dim3A_11 {add = true} : memref<512x128xi32, #tpu.memory_space<vmem>>[vector<16xi32>, vector<16xi32>], vector<16xi32>,
    } {sc.loop_unroll_factor = 16 : i64, sc.parallel_access}
    %add3A_22 = arith.constant 32768 : i32
    %add3A_23 = arith.addi %mul3A_2, %add3A_22 : i32
    %dma_start3A_24 = tpu.memref_slice %arg2[%add3A_23] : memref<2097152xi32, #tpu.memory_space<hbm>> -> memref<16384xi32, #tpu.memory_space<hbm>>
    %dma_start3A_25 = tpu.memref_slice %arg2[%add3A_23] : memref<2097152xi32, #tpu.memory_space<hbm>> -> memref<16384xi32, #tpu.memory_space<hbm>>
    tpu.enqueue_dma source(%dma_start3A_25 : memref<16384xi32, #tpu.memory_space<hbm>>) target(%arg4 : memref<16384xi32, #tpu.memory_space<vmem>>) target_semaphore(%arg7 : memref<!tpu.dma_semaphore, #tpu.memory_space<semaphore_mem>>)
    %dma_wait3A_26 = tpu.memref_slice %arg2[%add3A_16] : memref<2097152xi32, #tpu.memory_space<hbm>> -> memref<16384xi32, #tpu.memory_space<hbm>>
    %dma_wait3A_27 = tpu.memref_slice %arg2[%add3A_16] : memref<2097152xi32, #tpu.memory_space<hbm>> -> memref<16384xi32, #tpu.memory_space<hbm>>
    tpu.wait_dma2 semaphore(%arg8 : memref<!tpu.dma_semaphore, #tpu.memory_space<semaphore_mem>>) src(%dma_wait3A_27 : memref<16384xi32, #tpu.memory_space<hbm>>) dst(%arg5 : memref<16384xi32, #tpu.memory_space<vmem>>)
    %parallel_loop3A_28 = arith.constant 0 : i32
    %parallel_loop3A_29 = arith.constant 1024 : i32
    %parallel_loop3A_30 = arith.constant 1 : i32
    scf.for %parallel_loop3A_45 = %parallel_loop3A_28 to %parallel_loop3A_29 step %parallel_loop3A_30  : i32 {
      %parallel_loop3A_46 = arith.constant 16 : i32
      %parallel_loop3A_47 = arith.muli %parallel_loop3A_45, %parallel_loop3A_46 : i32
      %parallel_loop3A_48 = arith.index_cast %parallel_loop3A_47 : i32 to index
      %parallel_loop3A_49 = tpu.vector_load %arg5[%parallel_loop3A_48] {strides = array<i32>} : memref<16384xi32, #tpu.memory_space<vmem>>, vector<16xi32>,
      %parallel_loop3A_50 = arith.constant 16 : i32
      %parallel_loop3A_51 = vector.broadcast %parallel_loop3A_50 : i32 to vector<16xi32>
      %parallel_loop3A_52 = arith.shrui %parallel_loop3A_49, %parallel_loop3A_51 : vector<16xi32>
      %parallel_loop3A_53 = arith.constant 7 : i32
      %parallel_loop3A_54 = vector.broadcast %parallel_loop3A_53 : i32 to vector<16xi32>
      %parallel_loop3A_55 = arith.shrsi %parallel_loop3A_52, %parallel_loop3A_54 : vector<16xi32>
      %parallel_loop3A_56 = arith.constant 127 : i32
      %parallel_loop3A_57 = vector.broadcast %parallel_loop3A_56 : i32 to vector<16xi32>
      %parallel_loop3A_58 = arith.andi %parallel_loop3A_52, %parallel_loop3A_57 : vector<16xi32>
      tpu.vector_store_idx %arg6[%parallel_loop3A_55, %parallel_loop3A_58], %broadcast_in_dim3A_11 {add = true} : memref<512x128xi32, #tpu.memory_space<vmem>>[vector<16xi32>, vector<16xi32>], vector<16xi32>,
    } {sc.loop_unroll_factor = 16 : i64, sc.parallel_access}
    %add3A_31 = arith.constant 49152 : i32
    %add3A_32 = arith.addi %mul3A_2, %add3A_31 : i32
    %dma_start3A_33 = tpu.memref_slice %arg2[%add3A_32] : memref<2097152xi32, #tpu.memory_space<hbm>> -> memref<16384xi32, #tpu.memory_space<hbm>>
    %dma_start3A_34 = tpu.memref_slice %arg2[%add3A_32] : memref<2097152xi32, #tpu.memory_space<hbm>> -> memref<16384xi32, #tpu.memory_space<hbm>>
    tpu.enqueue_dma source(%dma_start3A_34 : memref<16384xi32, #tpu.memory_space<hbm>>) target(%arg5 : memref<16384xi32, #tpu.memory_space<vmem>>) target_semaphore(%arg8 : memref<!tpu.dma_semaphore, #tpu.memory_space<semaphore_mem>>)
    %dma_wait3A_35 = tpu.memref_slice %arg2[%add3A_23] : memref<2097152xi32, #tpu.memory_space<hbm>> -> memref<16384xi32, #tpu.memory_space<hbm>>
    %dma_wait3A_36 = tpu.memref_slice %arg2[%add3A_23] : memref<2097152xi32, #tpu.memory_space<hbm>> -> memref<16384xi32, #tpu.memory_space<hbm>>
    tpu.wait_dma2 semaphore(%arg7 : memref<!tpu.dma_semaphore, #tpu.memory_space<semaphore_mem>>) src(%dma_wait3A_36 : memref<16384xi32, #tpu.memory_space<hbm>>) dst(%arg4 : memref<16384xi32, #tpu.memory_space<vmem>>)
    %parallel_loop3A_37 = arith.constant 0 : i32
    %parallel_loop3A_38 = arith.constant 1024 : i32
    %parallel_loop3A_39 = arith.constant 1 : i32
    scf.for %parallel_loop3A_45 = %parallel_loop3A_37 to %parallel_loop3A_38 step %parallel_loop3A_39  : i32 {
      %parallel_loop3A_46 = arith.constant 16 : i32
      %parallel_loop3A_47 = arith.muli %parallel_loop3A_45, %parallel_loop3A_46 : i32
      %parallel_loop3A_48 = arith.index_cast %parallel_loop3A_47 : i32 to index
      %parallel_loop3A_49 = tpu.vector_load %arg4[%parallel_loop3A_48] {strides = array<i32>} : memref<16384xi32, #tpu.memory_space<vmem>>, vector<16xi32>,
      %parallel_loop3A_50 = arith.constant 16 : i32
      %parallel_loop3A_51 = vector.broadcast %parallel_loop3A_50 : i32 to vector<16xi32>
      %parallel_loop3A_52 = arith.shrui %parallel_loop3A_49, %parallel_loop3A_51 : vector<16xi32>
      %parallel_loop3A_53 = arith.constant 7 : i32
      %parallel_loop3A_54 = vector.broadcast %parallel_loop3A_53 : i32 to vector<16xi32>
      %parallel_loop3A_55 = arith.shrsi %parallel_loop3A_52, %parallel_loop3A_54 : vector<16xi32>
      %parallel_loop3A_56 = arith.constant 127 : i32
      %parallel_loop3A_57 = vector.broadcast %parallel_loop3A_56 : i32 to vector<16xi32>
      %parallel_loop3A_58 = arith.andi %parallel_loop3A_52, %parallel_loop3A_57 : vector<16xi32>
      tpu.vector_store_idx %arg6[%parallel_loop3A_55, %parallel_loop3A_58], %broadcast_in_dim3A_11 {add = true} : memref<512x128xi32, #tpu.memory_space<vmem>>[vector<16xi32>, vector<16xi32>], vector<16xi32>,
    } {sc.loop_unroll_factor = 16 : i64, sc.parallel_access}
    %dma_wait3A_40 = tpu.memref_slice %arg2[%add3A_32] : memref<2097152xi32, #tpu.memory_space<hbm>> -> memref<16384xi32, #tpu.memory_space<hbm>>
    %dma_wait3A_41 = tpu.memref_slice %arg2[%add3A_32] : memref<2097152xi32, #tpu.memory_space<hbm>> -> memref<16384xi32, #tpu.memory_space<hbm>>
    tpu.wait_dma2 semaphore(%arg8 : memref<!tpu.dma_semaphore, #tpu.memory_space<semaphore_mem>>) src(%dma_wait3A_41 : memref<16384xi32, #tpu.memory_space<hbm>>) dst(%arg5 : memref<16384xi32, #tpu.memory_space<vmem>>)
    %parallel_loop3A_42 = arith.constant 0 : i32
    %parallel_loop3A_43 = arith.constant 1024 : i32
    %parallel_loop3A_44 = arith.constant 1 : i32
    scf.for %parallel_loop3A_45 = %parallel_loop3A_42 to %parallel_loop3A_43 step %parallel_loop3A_44  : i32 {
      %parallel_loop3A_46 = arith.constant 16 : i32
      %parallel_loop3A_47 = arith.muli %parallel_loop3A_45, %parallel_loop3A_46 : i32
      %parallel_loop3A_48 = arith.index_cast %parallel_loop3A_47 : i32 to index
      %parallel_loop3A_49 = tpu.vector_load %arg5[%parallel_loop3A_48] {strides = array<i32>} : memref<16384xi32, #tpu.memory_space<vmem>>, vector<16xi32>,
      %parallel_loop3A_50 = arith.constant 16 : i32
      %parallel_loop3A_51 = vector.broadcast %parallel_loop3A_50 : i32 to vector<16xi32>
      %parallel_loop3A_52 = arith.shrui %parallel_loop3A_49, %parallel_loop3A_51 : vector<16xi32>
      %parallel_loop3A_53 = arith.constant 7 : i32
      %parallel_loop3A_54 = vector.broadcast %parallel_loop3A_53 : i32 to vector<16xi32>
      %parallel_loop3A_55 = arith.shrsi %parallel_loop3A_52, %parallel_loop3A_54 : vector<16xi32>
      %parallel_loop3A_56 = arith.constant 127 : i32
      %parallel_loop3A_57 = vector.broadcast %parallel_loop3A_56 : i32 to vector<16xi32>
      %parallel_loop3A_58 = arith.andi %parallel_loop3A_52, %parallel_loop3A_57 : vector<16xi32>
      tpu.vector_store_idx %arg6[%parallel_loop3A_55, %parallel_loop3A_58], %broadcast_in_dim3A_11 {add = true} : memref<512x128xi32, #tpu.memory_space<vmem>>[vector<16xi32>, vector<16xi32>], vector<16xi32>,
    } {sc.loop_unroll_factor = 16 : i64, sc.parallel_access}
    "tpu.region"() ({
      %run_scoped3A = tpu.sem_alloc : memref<!tpu.dma_semaphore, #tpu.memory_space<semaphore_mem>>
      %dma_start3A_45 = arith.constant 0 : i32
      %dma_start3A_46 = arith.constant 0 : i32
      %dma_start3A_47 = tpu.memref_slice %arg3[%add3A, %dma_start3A_45, %dma_start3A_46] : memref<32x512x128xi32, #tpu.memory_space<hbm>> -> memref<1x512x128xi32, #tpu.memory_space<hbm>>
      %dma_start3A_48 = tpu.memref_squeeze %dma_start3A_47 : memref<1x512x128xi32, #tpu.memory_space<hbm>> -> memref<512x128xi32, #tpu.memory_space<hbm>>
      %dma_start3A_49 = arith.constant 0 : i32
      %dma_start3A_50 = arith.constant 0 : i32
      %dma_start3A_51 = tpu.memref_slice %arg3[%add3A, %dma_start3A_49, %dma_start3A_50] : memref<32x512x128xi32, #tpu.memory_space<hbm>> -> memref<1x512x128xi32, #tpu.memory_space<hbm>>
      %dma_start3A_52 = tpu.memref_squeeze %dma_start3A_51 : memref<1x512x128xi32, #tpu.memory_space<hbm>> -> memref<512x128xi32, #tpu.memory_space<hbm>>
      tpu.enqueue_dma source(%arg6 : memref<512x128xi32, #tpu.memory_space<vmem>>) target(%dma_start3A_52 : memref<512x128xi32, #tpu.memory_space<hbm>>) target_semaphore(%run_scoped3A : memref<!tpu.dma_semaphore, #tpu.memory_space<semaphore_mem>>)
      %dma_wait3A_53 = arith.constant 0 : i32
      %dma_wait3A_54 = arith.constant 0 : i32
      %dma_wait3A_55 = tpu.memref_slice %arg3[%add3A, %dma_wait3A_53, %dma_wait3A_54] : memref<32x512x128xi32, #tpu.memory_space<hbm>> -> memref<1x512x128xi32, #tpu.memory_space<hbm>>
      %dma_wait3A_56 = tpu.memref_squeeze %dma_wait3A_55 : memref<1x512x128xi32, #tpu.memory_space<hbm>> -> memref<512x128xi32, #tpu.memory_space<hbm>>
      %dma_wait3A_57 = arith.constant 0 : i32
      %dma_wait3A_58 = arith.constant 0 : i32
      %dma_wait3A_59 = tpu.memref_slice %arg3[%add3A, %dma_wait3A_57, %dma_wait3A_58] : memref<32x512x128xi32, #tpu.memory_space<hbm>> -> memref<1x512x128xi32, #tpu.memory_space<hbm>>
      %dma_wait3A_60 = tpu.memref_squeeze %dma_wait3A_59 : memref<1x512x128xi32, #tpu.memory_space<hbm>> -> memref<512x128xi32, #tpu.memory_space<hbm>>
      tpu.wait_dma2 semaphore(%run_scoped3A : memref<!tpu.dma_semaphore, #tpu.memory_space<semaphore_mem>>) src(%arg6 : memref<512x128xi32, #tpu.memory_space<vmem>>) dst(%dma_wait3A_60 : memref<512x128xi32, #tpu.memory_space<hbm>>)
      tpu.yield
    }) : () -> ()
    return
  }
}

#map = affine_map<(d0, d1) -> (0)>
#map1 = affine_map<(d0, d1) -> (0, 0)>
#map2 = affine_map<(d0, d1) -> (0, 0, 0)>
module attributes {stable_mosaic.version = 14 : i64} {
  func.func @_sc_hist_low_body(%arg0: i32, %arg1: i32, %arg2: memref<2097152xi32, #tpu.memory_space<hbm>>, %arg3: memref<8x128xi32, #tpu.memory_space<hbm>>, %arg4: memref<32x512x128xi32, #tpu.memory_space<hbm>>, %arg5: memref<16384xi32, #tpu.memory_space<vmem>>, %arg6: memref<16384xi32, #tpu.memory_space<vmem>>, %arg7: memref<520x128xi32, #tpu.memory_space<vmem>>, %arg8: memref<128xi32, #tpu.memory_space<vmem>>, %arg9: memref<!tpu.dma_semaphore, #tpu.memory_space<semaphore_mem>>, %arg10: memref<!tpu.dma_semaphore, #tpu.memory_space<semaphore_mem>>) attributes {dimension_semantics = [#tpu.dimension_semantics<core_parallel>, #tpu.dimension_semantics<subcore_parallel>], iteration_bounds = array<i64: 2, 16>, scalar_prefetch = 0 : i64, scratch_operands = 6 : i64, tpu.core_type = #tpu.core_type<sc_vector_subcore>, window_params = [{transform_indices = #map}, {transform_indices = #map1}, {transform_indices = #map2}]} {
    %mul3A = arith.constant 2 : i32
    %mul3A_0 = arith.muli %arg1, %mul3A : i32
    %add3A = arith.addi %mul3A_0, %arg0 : i32
    %mul3A_1 = arith.constant 65536 : i32
    %mul3A_2 = arith.muli %add3A, %mul3A_1 : i32
    %broadcast_in_dim3A = arith.constant 0 : i32
    %broadcast_in_dim3A_3 = vector.broadcast %broadcast_in_dim3A : i32 to vector<16xi32>
    %scan3A = arith.constant 0 : i32
    %scan3A_4 = arith.constant 0 : i32
    %scan3A_5 = arith.constant 520 : i32
    %scan3A_6 = arith.addi %scan3A_4, %scan3A_5 : i32
    %scan3A_7 = arith.constant 1 : i32
    %scan3A_8 = scf.for %scan3A_50 = %scan3A_4 to %scan3A_6 step %scan3A_7 iter_args(%scan3A_51 = %scan3A) -> (i32)  : i32 {
      %swap3A = arith.index_cast %scan3A_50 : i32 to index
      %swap3A_52 = arith.constant 0 : index
      %swap3A_53 = tpu.vector_load %arg7[%swap3A, %swap3A_52] {strides = array<i32>} : memref<520x128xi32, #tpu.memory_space<vmem>>, vector<16xi32>,
      tpu.vector_store %arg7[%swap3A, %swap3A_52], %broadcast_in_dim3A_3 {strides = array<i32>} : memref<520x128xi32, #tpu.memory_space<vmem>>, vector<16xi32>,
      %swap3A_54 = arith.index_cast %scan3A_50 : i32 to index
      %swap3A_55 = arith.constant 16 : index
      %swap3A_56 = tpu.vector_load %arg7[%swap3A_54, %swap3A_55] {strides = array<i32>} : memref<520x128xi32, #tpu.memory_space<vmem>>, vector<16xi32>,
      tpu.vector_store %arg7[%swap3A_54, %swap3A_55], %broadcast_in_dim3A_3 {strides = array<i32>} : memref<520x128xi32, #tpu.memory_space<vmem>>, vector<16xi32>,
      %swap3A_57 = arith.index_cast %scan3A_50 : i32 to index
      %swap3A_58 = arith.constant 32 : index
      %swap3A_59 = tpu.vector_load %arg7[%swap3A_57, %swap3A_58] {strides = array<i32>} : memref<520x128xi32, #tpu.memory_space<vmem>>, vector<16xi32>,
      tpu.vector_store %arg7[%swap3A_57, %swap3A_58], %broadcast_in_dim3A_3 {strides = array<i32>} : memref<520x128xi32, #tpu.memory_space<vmem>>, vector<16xi32>,
      %swap3A_60 = arith.index_cast %scan3A_50 : i32 to index
      %swap3A_61 = arith.constant 48 : index
      %swap3A_62 = tpu.vector_load %arg7[%swap3A_60, %swap3A_61] {strides = array<i32>} : memref<520x128xi32, #tpu.memory_space<vmem>>, vector<16xi32>,
      tpu.vector_store %arg7[%swap3A_60, %swap3A_61], %broadcast_in_dim3A_3 {strides = array<i32>} : memref<520x128xi32, #tpu.memory_space<vmem>>, vector<16xi32>,
      %swap3A_63 = arith.index_cast %scan3A_50 : i32 to index
      %swap3A_64 = arith.constant 64 : index
      %swap3A_65 = tpu.vector_load %arg7[%swap3A_63, %swap3A_64] {strides = array<i32>} : memref<520x128xi32, #tpu.memory_space<vmem>>, vector<16xi32>,
      tpu.vector_store %arg7[%swap3A_63, %swap3A_64], %broadcast_in_dim3A_3 {strides = array<i32>} : memref<520x128xi32, #tpu.memory_space<vmem>>, vector<16xi32>,
      %swap3A_66 = arith.index_cast %scan3A_50 : i32 to index
      %swap3A_67 = arith.constant 80 : index
      %swap3A_68 = tpu.vector_load %arg7[%swap3A_66, %swap3A_67] {strides = array<i32>} : memref<520x128xi32, #tpu.memory_space<vmem>>, vector<16xi32>,
      tpu.vector_store %arg7[%swap3A_66, %swap3A_67], %broadcast_in_dim3A_3 {strides = array<i32>} : memref<520x128xi32, #tpu.memory_space<vmem>>, vector<16xi32>,
      %swap3A_69 = arith.index_cast %scan3A_50 : i32 to index
      %swap3A_70 = arith.constant 96 : index
      %swap3A_71 = tpu.vector_load %arg7[%swap3A_69, %swap3A_70] {strides = array<i32>} : memref<520x128xi32, #tpu.memory_space<vmem>>, vector<16xi32>,
      tpu.vector_store %arg7[%swap3A_69, %swap3A_70], %broadcast_in_dim3A_3 {strides = array<i32>} : memref<520x128xi32, #tpu.memory_space<vmem>>, vector<16xi32>,
      %swap3A_72 = arith.index_cast %scan3A_50 : i32 to index
      %swap3A_73 = arith.constant 112 : index
      %swap3A_74 = tpu.vector_load %arg7[%swap3A_72, %swap3A_73] {strides = array<i32>} : memref<520x128xi32, #tpu.memory_space<vmem>>, vector<16xi32>,
      tpu.vector_store %arg7[%swap3A_72, %swap3A_73], %broadcast_in_dim3A_3 {strides = array<i32>} : memref<520x128xi32, #tpu.memory_space<vmem>>, vector<16xi32>,
      %scan3A_75 = arith.constant 0 : i32
      scf.yield %scan3A_75 : i32
    }
    %scan3A_9 = arith.constant 520 : i32
    %run_scoped3A = arith.constant 0 : i32
    "tpu.region"() ({
      %run_scoped3A_50 = tpu.sem_alloc : memref<!tpu.dma_semaphore, #tpu.memory_space<semaphore_mem>>
      %dma_start3A_51 = arith.constant 0 : i32
      %dma_start3A_52 = tpu.memref_slice %arg3[%run_scoped3A, %dma_start3A_51] : memref<8x128xi32, #tpu.memory_space<hbm>> -> memref<1x128xi32, #tpu.memory_space<hbm>>
      %dma_start3A_53 = tpu.memref_squeeze %dma_start3A_52 : memref<1x128xi32, #tpu.memory_space<hbm>> -> memref<128xi32, #tpu.memory_space<hbm>>
      %dma_start3A_54 = arith.constant 0 : i32
      %dma_start3A_55 = tpu.memref_slice %arg3[%run_scoped3A, %dma_start3A_54] : memref<8x128xi32, #tpu.memory_space<hbm>> -> memref<1x128xi32, #tpu.memory_space<hbm>>
      %dma_start3A_56 = tpu.memref_squeeze %dma_start3A_55 : memref<1x128xi32, #tpu.memory_space<hbm>> -> memref<128xi32, #tpu.memory_space<hbm>>
      tpu.enqueue_dma source(%dma_start3A_56 : memref<128xi32, #tpu.memory_space<hbm>>) target(%arg8 : memref<128xi32, #tpu.memory_space<vmem>>) target_semaphore(%run_scoped3A_50 : memref<!tpu.dma_semaphore, #tpu.memory_space<semaphore_mem>>)
      %dma_wait3A_57 = arith.constant 0 : i32
      %dma_wait3A_58 = tpu.memref_slice %arg3[%run_scoped3A, %dma_wait3A_57] : memref<8x128xi32, #tpu.memory_space<hbm>> -> memref<1x128xi32, #tpu.memory_space<hbm>>
      %dma_wait3A_59 = tpu.memref_squeeze %dma_wait3A_58 : memref<1x128xi32, #tpu.memory_space<hbm>> -> memref<128xi32, #tpu.memory_space<hbm>>
      %dma_wait3A_60 = arith.constant 0 : i32
      %dma_wait3A_61 = tpu.memref_slice %arg3[%run_scoped3A, %dma_wait3A_60] : memref<8x128xi32, #tpu.memory_space<hbm>> -> memref<1x128xi32, #tpu.memory_space<hbm>>
      %dma_wait3A_62 = tpu.memref_squeeze %dma_wait3A_61 : memref<1x128xi32, #tpu.memory_space<hbm>> -> memref<128xi32, #tpu.memory_space<hbm>>
      tpu.wait_dma2 semaphore(%run_scoped3A_50 : memref<!tpu.dma_semaphore, #tpu.memory_space<semaphore_mem>>) src(%dma_wait3A_62 : memref<128xi32, #tpu.memory_space<hbm>>) dst(%arg8 : memref<128xi32, #tpu.memory_space<vmem>>)
      tpu.yield
    }) : () -> ()
    %get3A = arith.constant 0 : index
    %get3A_10 = tpu.vector_load %arg8[%get3A] {strides = array<i32>} : memref<128xi32, #tpu.memory_space<vmem>>, vector<16xi32>,
    %shift_left3A = arith.constant 16 : i32
    %shift_left3A_11 = vector.broadcast %shift_left3A : i32 to vector<16xi32>
    %shift_left3A_12 = arith.shli %get3A_10, %shift_left3A_11 : vector<16xi32>
    %broadcast_in_dim3A_13 = arith.constant 65536 : i32
    %broadcast_in_dim3A_14 = vector.broadcast %broadcast_in_dim3A_13 : i32 to vector<16xi32>
    %broadcast_in_dim3A_15 = arith.constant 1 : i32
    %broadcast_in_dim3A_16 = vector.broadcast %broadcast_in_dim3A_15 : i32 to vector<16xi32>
    %add3A_17 = arith.constant 0 : i32
    %add3A_18 = arith.addi %mul3A_2, %add3A_17 : i32
    %dma_start3A = tpu.memref_slice %arg2[%add3A_18] : memref<2097152xi32, #tpu.memory_space<hbm>> -> memref<16384xi32, #tpu.memory_space<hbm>>
    %dma_start3A_19 = tpu.memref_slice %arg2[%add3A_18] : memref<2097152xi32, #tpu.memory_space<hbm>> -> memref<16384xi32, #tpu.memory_space<hbm>>
    tpu.enqueue_dma source(%dma_start3A_19 : memref<16384xi32, #tpu.memory_space<hbm>>) target(%arg5 : memref<16384xi32, #tpu.memory_space<vmem>>) target_semaphore(%arg9 : memref<!tpu.dma_semaphore, #tpu.memory_space<semaphore_mem>>)
    %add3A_20 = arith.constant 16384 : i32
    %add3A_21 = arith.addi %mul3A_2, %add3A_20 : i32
    %dma_start3A_22 = tpu.memref_slice %arg2[%add3A_21] : memref<2097152xi32, #tpu.memory_space<hbm>> -> memref<16384xi32, #tpu.memory_space<hbm>>
    %dma_start3A_23 = tpu.memref_slice %arg2[%add3A_21] : memref<2097152xi32, #tpu.memory_space<hbm>> -> memref<16384xi32, #tpu.memory_space<hbm>>
    tpu.enqueue_dma source(%dma_start3A_23 : memref<16384xi32, #tpu.memory_space<hbm>>) target(%arg6 : memref<16384xi32, #tpu.memory_space<vmem>>) target_semaphore(%arg10 : memref<!tpu.dma_semaphore, #tpu.memory_space<semaphore_mem>>)
    %dma_wait3A = tpu.memref_slice %arg2[%add3A_18] : memref<2097152xi32, #tpu.memory_space<hbm>> -> memref<16384xi32, #tpu.memory_space<hbm>>
    %dma_wait3A_24 = tpu.memref_slice %arg2[%add3A_18] : memref<2097152xi32, #tpu.memory_space<hbm>> -> memref<16384xi32, #tpu.memory_space<hbm>>
    tpu.wait_dma2 semaphore(%arg9 : memref<!tpu.dma_semaphore, #tpu.memory_space<semaphore_mem>>) src(%dma_wait3A_24 : memref<16384xi32, #tpu.memory_space<hbm>>) dst(%arg5 : memref<16384xi32, #tpu.memory_space<vmem>>)
    %parallel_loop3A = arith.constant 0 : i32
    %parallel_loop3A_25 = arith.constant 1024 : i32
    %parallel_loop3A_26 = arith.constant 1 : i32
    scf.for %parallel_loop3A_50 = %parallel_loop3A to %parallel_loop3A_25 step %parallel_loop3A_26  : i32 {
      %parallel_loop3A_51 = arith.constant 16 : i32
      %parallel_loop3A_52 = arith.muli %parallel_loop3A_50, %parallel_loop3A_51 : i32
      %parallel_loop3A_53 = arith.index_cast %parallel_loop3A_52 : i32 to index
      %parallel_loop3A_54 = tpu.vector_load %arg5[%parallel_loop3A_53] {strides = array<i32>} : memref<16384xi32, #tpu.memory_space<vmem>>, vector<16xi32>,
      %parallel_loop3A_55 = arith.xori %parallel_loop3A_54, %shift_left3A_12 : vector<16xi32>
      %parallel_loop3A_56 = arith.minui %parallel_loop3A_55, %broadcast_in_dim3A_14 : vector<16xi32>
      %parallel_loop3A_57 = arith.constant 7 : i32
      %parallel_loop3A_58 = vector.broadcast %parallel_loop3A_57 : i32 to vector<16xi32>
      %parallel_loop3A_59 = arith.shrsi %parallel_loop3A_56, %parallel_loop3A_58 : vector<16xi32>
      %parallel_loop3A_60 = arith.constant 127 : i32
      %parallel_loop3A_61 = vector.broadcast %parallel_loop3A_60 : i32 to vector<16xi32>
      %parallel_loop3A_62 = arith.andi %parallel_loop3A_56, %parallel_loop3A_61 : vector<16xi32>
      %parallel_loop3A_63 = arith.cmpi ult, %parallel_loop3A_55, %broadcast_in_dim3A_14 : vector<16xi32>
      tpu.vector_store_idx %arg7[%parallel_loop3A_59, %parallel_loop3A_62], %broadcast_in_dim3A_16 masked %parallel_loop3A_63 {add = true} : memref<520x128xi32, #tpu.memory_space<vmem>>[vector<16xi32>, vector<16xi32>], vector<16xi32>, vector<16xi1>
    } {sc.loop_unroll_factor = 16 : i64, sc.parallel_access}
    %add3A_27 = arith.constant 32768 : i32
    %add3A_28 = arith.addi %mul3A_2, %add3A_27 : i32
    %dma_start3A_29 = tpu.memref_slice %arg2[%add3A_28] : memref<2097152xi32, #tpu.memory_space<hbm>> -> memref<16384xi32, #tpu.memory_space<hbm>>
    %dma_start3A_30 = tpu.memref_slice %arg2[%add3A_28] : memref<2097152xi32, #tpu.memory_space<hbm>> -> memref<16384xi32, #tpu.memory_space<hbm>>
    tpu.enqueue_dma source(%dma_start3A_30 : memref<16384xi32, #tpu.memory_space<hbm>>) target(%arg5 : memref<16384xi32, #tpu.memory_space<vmem>>) target_semaphore(%arg9 : memref<!tpu.dma_semaphore, #tpu.memory_space<semaphore_mem>>)
    %dma_wait3A_31 = tpu.memref_slice %arg2[%add3A_21] : memref<2097152xi32, #tpu.memory_space<hbm>> -> memref<16384xi32, #tpu.memory_space<hbm>>
    %dma_wait3A_32 = tpu.memref_slice %arg2[%add3A_21] : memref<2097152xi32, #tpu.memory_space<hbm>> -> memref<16384xi32, #tpu.memory_space<hbm>>
    tpu.wait_dma2 semaphore(%arg10 : memref<!tpu.dma_semaphore, #tpu.memory_space<semaphore_mem>>) src(%dma_wait3A_32 : memref<16384xi32, #tpu.memory_space<hbm>>) dst(%arg6 : memref<16384xi32, #tpu.memory_space<vmem>>)
    %parallel_loop3A_33 = arith.constant 0 : i32
    %parallel_loop3A_34 = arith.constant 1024 : i32
    %parallel_loop3A_35 = arith.constant 1 : i32
    scf.for %parallel_loop3A_50 = %parallel_loop3A_33 to %parallel_loop3A_34 step %parallel_loop3A_35  : i32 {
      %parallel_loop3A_51 = arith.constant 16 : i32
      %parallel_loop3A_52 = arith.muli %parallel_loop3A_50, %parallel_loop3A_51 : i32
      %parallel_loop3A_53 = arith.index_cast %parallel_loop3A_52 : i32 to index
      %parallel_loop3A_54 = tpu.vector_load %arg6[%parallel_loop3A_53] {strides = array<i32>} : memref<16384xi32, #tpu.memory_space<vmem>>, vector<16xi32>,
      %parallel_loop3A_55 = arith.xori %parallel_loop3A_54, %shift_left3A_12 : vector<16xi32>
      %parallel_loop3A_56 = arith.minui %parallel_loop3A_55, %broadcast_in_dim3A_14 : vector<16xi32>
      %parallel_loop3A_57 = arith.constant 7 : i32
      %parallel_loop3A_58 = vector.broadcast %parallel_loop3A_57 : i32 to vector<16xi32>
      %parallel_loop3A_59 = arith.shrsi %parallel_loop3A_56, %parallel_loop3A_58 : vector<16xi32>
      %parallel_loop3A_60 = arith.constant 127 : i32
      %parallel_loop3A_61 = vector.broadcast %parallel_loop3A_60 : i32 to vector<16xi32>
      %parallel_loop3A_62 = arith.andi %parallel_loop3A_56, %parallel_loop3A_61 : vector<16xi32>
      %parallel_loop3A_63 = arith.cmpi ult, %parallel_loop3A_55, %broadcast_in_dim3A_14 : vector<16xi32>
      tpu.vector_store_idx %arg7[%parallel_loop3A_59, %parallel_loop3A_62], %broadcast_in_dim3A_16 masked %parallel_loop3A_63 {add = true} : memref<520x128xi32, #tpu.memory_space<vmem>>[vector<16xi32>, vector<16xi32>], vector<16xi32>, vector<16xi1>
    } {sc.loop_unroll_factor = 16 : i64, sc.parallel_access}
    %add3A_36 = arith.constant 49152 : i32
    %add3A_37 = arith.addi %mul3A_2, %add3A_36 : i32
    %dma_start3A_38 = tpu.memref_slice %arg2[%add3A_37] : memref<2097152xi32, #tpu.memory_space<hbm>> -> memref<16384xi32, #tpu.memory_space<hbm>>
    %dma_start3A_39 = tpu.memref_slice %arg2[%add3A_37] : memref<2097152xi32, #tpu.memory_space<hbm>> -> memref<16384xi32, #tpu.memory_space<hbm>>
    tpu.enqueue_dma source(%dma_start3A_39 : memref<16384xi32, #tpu.memory_space<hbm>>) target(%arg6 : memref<16384xi32, #tpu.memory_space<vmem>>) target_semaphore(%arg10 : memref<!tpu.dma_semaphore, #tpu.memory_space<semaphore_mem>>)
    %dma_wait3A_40 = tpu.memref_slice %arg2[%add3A_28] : memref<2097152xi32, #tpu.memory_space<hbm>> -> memref<16384xi32, #tpu.memory_space<hbm>>
    %dma_wait3A_41 = tpu.memref_slice %arg2[%add3A_28] : memref<2097152xi32, #tpu.memory_space<hbm>> -> memref<16384xi32, #tpu.memory_space<hbm>>
    tpu.wait_dma2 semaphore(%arg9 : memref<!tpu.dma_semaphore, #tpu.memory_space<semaphore_mem>>) src(%dma_wait3A_41 : memref<16384xi32, #tpu.memory_space<hbm>>) dst(%arg5 : memref<16384xi32, #tpu.memory_space<vmem>>)
    %parallel_loop3A_42 = arith.constant 0 : i32
    %parallel_loop3A_43 = arith.constant 1024 : i32
    %parallel_loop3A_44 = arith.constant 1 : i32
    scf.for %parallel_loop3A_50 = %parallel_loop3A_42 to %parallel_loop3A_43 step %parallel_loop3A_44  : i32 {
      %parallel_loop3A_51 = arith.constant 16 : i32
      %parallel_loop3A_52 = arith.muli %parallel_loop3A_50, %parallel_loop3A_51 : i32
      %parallel_loop3A_53 = arith.index_cast %parallel_loop3A_52 : i32 to index
      %parallel_loop3A_54 = tpu.vector_load %arg5[%parallel_loop3A_53] {strides = array<i32>} : memref<16384xi32, #tpu.memory_space<vmem>>, vector<16xi32>,
      %parallel_loop3A_55 = arith.xori %parallel_loop3A_54, %shift_left3A_12 : vector<16xi32>
      %parallel_loop3A_56 = arith.minui %parallel_loop3A_55, %broadcast_in_dim3A_14 : vector<16xi32>
      %parallel_loop3A_57 = arith.constant 7 : i32
      %parallel_loop3A_58 = vector.broadcast %parallel_loop3A_57 : i32 to vector<16xi32>
      %parallel_loop3A_59 = arith.shrsi %parallel_loop3A_56, %parallel_loop3A_58 : vector<16xi32>
      %parallel_loop3A_60 = arith.constant 127 : i32
      %parallel_loop3A_61 = vector.broadcast %parallel_loop3A_60 : i32 to vector<16xi32>
      %parallel_loop3A_62 = arith.andi %parallel_loop3A_56, %parallel_loop3A_61 : vector<16xi32>
      %parallel_loop3A_63 = arith.cmpi ult, %parallel_loop3A_55, %broadcast_in_dim3A_14 : vector<16xi32>
      tpu.vector_store_idx %arg7[%parallel_loop3A_59, %parallel_loop3A_62], %broadcast_in_dim3A_16 masked %parallel_loop3A_63 {add = true} : memref<520x128xi32, #tpu.memory_space<vmem>>[vector<16xi32>, vector<16xi32>], vector<16xi32>, vector<16xi1>
    } {sc.loop_unroll_factor = 16 : i64, sc.parallel_access}
    %dma_wait3A_45 = tpu.memref_slice %arg2[%add3A_37] : memref<2097152xi32, #tpu.memory_space<hbm>> -> memref<16384xi32, #tpu.memory_space<hbm>>
    %dma_wait3A_46 = tpu.memref_slice %arg2[%add3A_37] : memref<2097152xi32, #tpu.memory_space<hbm>> -> memref<16384xi32, #tpu.memory_space<hbm>>
    tpu.wait_dma2 semaphore(%arg10 : memref<!tpu.dma_semaphore, #tpu.memory_space<semaphore_mem>>) src(%dma_wait3A_46 : memref<16384xi32, #tpu.memory_space<hbm>>) dst(%arg6 : memref<16384xi32, #tpu.memory_space<vmem>>)
    %parallel_loop3A_47 = arith.constant 0 : i32
    %parallel_loop3A_48 = arith.constant 1024 : i32
    %parallel_loop3A_49 = arith.constant 1 : i32
    scf.for %parallel_loop3A_50 = %parallel_loop3A_47 to %parallel_loop3A_48 step %parallel_loop3A_49  : i32 {
      %parallel_loop3A_51 = arith.constant 16 : i32
      %parallel_loop3A_52 = arith.muli %parallel_loop3A_50, %parallel_loop3A_51 : i32
      %parallel_loop3A_53 = arith.index_cast %parallel_loop3A_52 : i32 to index
      %parallel_loop3A_54 = tpu.vector_load %arg6[%parallel_loop3A_53] {strides = array<i32>} : memref<16384xi32, #tpu.memory_space<vmem>>, vector<16xi32>,
      %parallel_loop3A_55 = arith.xori %parallel_loop3A_54, %shift_left3A_12 : vector<16xi32>
      %parallel_loop3A_56 = arith.minui %parallel_loop3A_55, %broadcast_in_dim3A_14 : vector<16xi32>
      %parallel_loop3A_57 = arith.constant 7 : i32
      %parallel_loop3A_58 = vector.broadcast %parallel_loop3A_57 : i32 to vector<16xi32>
      %parallel_loop3A_59 = arith.shrsi %parallel_loop3A_56, %parallel_loop3A_58 : vector<16xi32>
      %parallel_loop3A_60 = arith.constant 127 : i32
      %parallel_loop3A_61 = vector.broadcast %parallel_loop3A_60 : i32 to vector<16xi32>
      %parallel_loop3A_62 = arith.andi %parallel_loop3A_56, %parallel_loop3A_61 : vector<16xi32>
      %parallel_loop3A_63 = arith.cmpi ult, %parallel_loop3A_55, %broadcast_in_dim3A_14 : vector<16xi32>
      tpu.vector_store_idx %arg7[%parallel_loop3A_59, %parallel_loop3A_62], %broadcast_in_dim3A_16 masked %parallel_loop3A_63 {add = true} : memref<520x128xi32, #tpu.memory_space<vmem>>[vector<16xi32>, vector<16xi32>], vector<16xi32>, vector<16xi1>
    } {sc.loop_unroll_factor = 16 : i64, sc.parallel_access}
    "tpu.region"() ({
      %run_scoped3A_50 = tpu.sem_alloc : memref<!tpu.dma_semaphore, #tpu.memory_space<semaphore_mem>>
      %dma_start3A_51 = arith.constant 0 : i32
      %dma_start3A_52 = arith.constant 0 : i32
      %dma_start3A_53 = tpu.memref_slice %arg7[%dma_start3A_51, %dma_start3A_52] : memref<520x128xi32, #tpu.memory_space<vmem>> -> memref<512x128xi32, #tpu.memory_space<vmem>>
      %dma_start3A_54 = arith.constant 0 : i32
      %dma_start3A_55 = arith.constant 0 : i32
      %dma_start3A_56 = tpu.memref_slice %arg4[%add3A, %dma_start3A_54, %dma_start3A_55] : memref<32x512x128xi32, #tpu.memory_space<hbm>> -> memref<1x512x128xi32, #tpu.memory_space<hbm>>
      %dma_start3A_57 = tpu.memref_squeeze %dma_start3A_56 : memref<1x512x128xi32, #tpu.memory_space<hbm>> -> memref<512x128xi32, #tpu.memory_space<hbm>>
      %dma_start3A_58 = arith.constant 0 : i32
      %dma_start3A_59 = arith.constant 0 : i32
      %dma_start3A_60 = tpu.memref_slice %arg4[%add3A, %dma_start3A_58, %dma_start3A_59] : memref<32x512x128xi32, #tpu.memory_space<hbm>> -> memref<1x512x128xi32, #tpu.memory_space<hbm>>
      %dma_start3A_61 = tpu.memref_squeeze %dma_start3A_60 : memref<1x512x128xi32, #tpu.memory_space<hbm>> -> memref<512x128xi32, #tpu.memory_space<hbm>>
      %dma_start3A_62 = arith.constant 0 : i32
      %dma_start3A_63 = arith.constant 0 : i32
      %dma_start3A_64 = tpu.memref_slice %arg7[%dma_start3A_62, %dma_start3A_63] : memref<520x128xi32, #tpu.memory_space<vmem>> -> memref<512x128xi32, #tpu.memory_space<vmem>>
      tpu.enqueue_dma source(%dma_start3A_64 : memref<512x128xi32, #tpu.memory_space<vmem>>) target(%dma_start3A_61 : memref<512x128xi32, #tpu.memory_space<hbm>>) target_semaphore(%run_scoped3A_50 : memref<!tpu.dma_semaphore, #tpu.memory_space<semaphore_mem>>)
      %dma_wait3A_65 = arith.constant 0 : i32
      %dma_wait3A_66 = arith.constant 0 : i32
      %dma_wait3A_67 = tpu.memref_slice %arg7[%dma_wait3A_65, %dma_wait3A_66] : memref<520x128xi32, #tpu.memory_space<vmem>> -> memref<512x128xi32, #tpu.memory_space<vmem>>
      %dma_wait3A_68 = arith.constant 0 : i32
      %dma_wait3A_69 = arith.constant 0 : i32
      %dma_wait3A_70 = tpu.memref_slice %arg4[%add3A, %dma_wait3A_68, %dma_wait3A_69] : memref<32x512x128xi32, #tpu.memory_space<hbm>> -> memref<1x512x128xi32, #tpu.memory_space<hbm>>
      %dma_wait3A_71 = tpu.memref_squeeze %dma_wait3A_70 : memref<1x512x128xi32, #tpu.memory_space<hbm>> -> memref<512x128xi32, #tpu.memory_space<hbm>>
      %dma_wait3A_72 = arith.constant 0 : i32
      %dma_wait3A_73 = arith.constant 0 : i32
      %dma_wait3A_74 = tpu.memref_slice %arg4[%add3A, %dma_wait3A_72, %dma_wait3A_73] : memref<32x512x128xi32, #tpu.memory_space<hbm>> -> memref<1x512x128xi32, #tpu.memory_space<hbm>>
      %dma_wait3A_75 = tpu.memref_squeeze %dma_wait3A_74 : memref<1x512x128xi32, #tpu.memory_space<hbm>> -> memref<512x128xi32, #tpu.memory_space<hbm>>
      %dma_wait3A_76 = arith.constant 0 : i32
      %dma_wait3A_77 = arith.constant 0 : i32
      %dma_wait3A_78 = tpu.memref_slice %arg7[%dma_wait3A_76, %dma_wait3A_77] : memref<520x128xi32, #tpu.memory_space<vmem>> -> memref<512x128xi32, #tpu.memory_space<vmem>>
      tpu.wait_dma2 semaphore(%run_scoped3A_50 : memref<!tpu.dma_semaphore, #tpu.memory_space<semaphore_mem>>) src(%dma_wait3A_78 : memref<512x128xi32, #tpu.memory_space<vmem>>) dst(%dma_wait3A_75 : memref<512x128xi32, #tpu.memory_space<hbm>>)
      tpu.yield
    }) : () -> ()
    return
  }
}

module attributes {stable_mosaic.version = 14 : i64} {
  func.func @_sel_top_body(%arg0: memref<32x512x128xi32, #tpu.memory_space<vmem>>, %arg1: memref<8x128xi32, #tpu.memory_space<vmem>>, %arg2: memref<8x128xi32, #tpu.memory_space<vmem>>) attributes {dimension_semantics = [], scalar_prefetch = 0 : i64, scratch_operands = 0 : i64, tpu.core_type = #tpu.core_type<tc>} {
    %get3A = arith.constant 0 : index
    %get3A_0 = arith.constant 0 : index
    %get3A_1 = arith.constant 0 : index
    %get3A_2 = vector.load %arg0[%get3A, %get3A_0, %get3A_1] : memref<32x512x128xi32, #tpu.memory_space<vmem>>, vector<32x512x128xi32>
    %reduce_sum3A = arith.constant dense<0> : vector<512x128xi32>
    %reduce_sum3A_3 = vector.multi_reduction <add>, %get3A_2, %reduce_sum3A [0] : vector<32x512x128xi32> to vector<512x128xi32>
    %broadcast_in_dim3A = arith.constant 0 : i32
    %broadcast_in_dim3A_4 = vector.broadcast %broadcast_in_dim3A : i32 to vector<512x1xi32>
    %slice3A = vector.extract_strided_slice %reduce_sum3A_3 {offsets = [0, 0], sizes = [512, 127], strides = [1, 1]} : vector<512x128xi32> to vector<512x127xi32>
    %concatenate3A = tpu.concatenate %broadcast_in_dim3A_4, %slice3A in 1 : vector<512x1xi32>, vector<512x127xi32> -> vector<512x128xi32>
    %add3A = arith.addi %reduce_sum3A_3, %concatenate3A : vector<512x128xi32>
    %broadcast_in_dim3A_5 = arith.constant 0 : i32
    %broadcast_in_dim3A_6 = vector.broadcast %broadcast_in_dim3A_5 : i32 to vector<512x2xi32>
    %slice3A_7 = vector.extract_strided_slice %add3A {offsets = [0, 0], sizes = [512, 126], strides = [1, 1]} : vector<512x128xi32> to vector<512x126xi32>
    %concatenate3A_8 = tpu.concatenate %broadcast_in_dim3A_6, %slice3A_7 in 1 : vector<512x2xi32>, vector<512x126xi32> -> vector<512x128xi32>
    %add3A_9 = arith.addi %add3A, %concatenate3A_8 : vector<512x128xi32>
    %broadcast_in_dim3A_10 = arith.constant 0 : i32
    %broadcast_in_dim3A_11 = vector.broadcast %broadcast_in_dim3A_10 : i32 to vector<512x4xi32>
    %slice3A_12 = vector.extract_strided_slice %add3A_9 {offsets = [0, 0], sizes = [512, 124], strides = [1, 1]} : vector<512x128xi32> to vector<512x124xi32>
    %concatenate3A_13 = tpu.concatenate %broadcast_in_dim3A_11, %slice3A_12 in 1 : vector<512x4xi32>, vector<512x124xi32> -> vector<512x128xi32>
    %add3A_14 = arith.addi %add3A_9, %concatenate3A_13 : vector<512x128xi32>
    %broadcast_in_dim3A_15 = arith.constant 0 : i32
    %broadcast_in_dim3A_16 = vector.broadcast %broadcast_in_dim3A_15 : i32 to vector<512x8xi32>
    %slice3A_17 = vector.extract_strided_slice %add3A_14 {offsets = [0, 0], sizes = [512, 120], strides = [1, 1]} : vector<512x128xi32> to vector<512x120xi32>
    %concatenate3A_18 = tpu.concatenate %broadcast_in_dim3A_16, %slice3A_17 in 1 : vector<512x8xi32>, vector<512x120xi32> -> vector<512x128xi32>
    %add3A_19 = arith.addi %add3A_14, %concatenate3A_18 : vector<512x128xi32>
    %broadcast_in_dim3A_20 = arith.constant 0 : i32
    %broadcast_in_dim3A_21 = vector.broadcast %broadcast_in_dim3A_20 : i32 to vector<512x16xi32>
    %slice3A_22 = vector.extract_strided_slice %add3A_19 {offsets = [0, 0], sizes = [512, 112], strides = [1, 1]} : vector<512x128xi32> to vector<512x112xi32>
    %concatenate3A_23 = tpu.concatenate %broadcast_in_dim3A_21, %slice3A_22 in 1 : vector<512x16xi32>, vector<512x112xi32> -> vector<512x128xi32>
    %add3A_24 = arith.addi %add3A_19, %concatenate3A_23 : vector<512x128xi32>
    %broadcast_in_dim3A_25 = arith.constant 0 : i32
    %broadcast_in_dim3A_26 = vector.broadcast %broadcast_in_dim3A_25 : i32 to vector<512x32xi32>
    %slice3A_27 = vector.extract_strided_slice %add3A_24 {offsets = [0, 0], sizes = [512, 96], strides = [1, 1]} : vector<512x128xi32> to vector<512x96xi32>
    %concatenate3A_28 = tpu.concatenate %broadcast_in_dim3A_26, %slice3A_27 in 1 : vector<512x32xi32>, vector<512x96xi32> -> vector<512x128xi32>
    %add3A_29 = arith.addi %add3A_24, %concatenate3A_28 : vector<512x128xi32>
    %broadcast_in_dim3A_30 = arith.constant 0 : i32
    %broadcast_in_dim3A_31 = vector.broadcast %broadcast_in_dim3A_30 : i32 to vector<512x64xi32>
    %slice3A_32 = vector.extract_strided_slice %add3A_29 {offsets = [0, 0], sizes = [512, 64], strides = [1, 1]} : vector<512x128xi32> to vector<512x64xi32>
    %concatenate3A_33 = tpu.concatenate %broadcast_in_dim3A_31, %slice3A_32 in 1 : vector<512x64xi32>, vector<512x64xi32> -> vector<512x128xi32>
    %add3A_34 = arith.addi %add3A_29, %concatenate3A_33 : vector<512x128xi32>
    %slice3A_35 = vector.extract_strided_slice %add3A_34 {offsets = [0, 127], sizes = [512, 1], strides = [1, 1]} : vector<512x128xi32> to vector<512x1xi32>
    %broadcast_in_dim3A_36 = arith.constant 0 : i32
    %broadcast_in_dim3A_37 = vector.broadcast %broadcast_in_dim3A_36 : i32 to vector<1x1xi32>
    %slice3A_38 = vector.extract_strided_slice %slice3A_35 {offsets = [0, 0], sizes = [511, 1], strides = [1, 1]} : vector<512x1xi32> to vector<511x1xi32>
    %concatenate3A_39 = tpu.concatenate %broadcast_in_dim3A_37, %slice3A_38 in 0 : vector<1x1xi32>, vector<511x1xi32> -> vector<512x1xi32>
    %add3A_40 = arith.addi %slice3A_35, %concatenate3A_39 : vector<512x1xi32>
    %broadcast_in_dim3A_41 = arith.constant 0 : i32
    %broadcast_in_dim3A_42 = vector.broadcast %broadcast_in_dim3A_41 : i32 to vector<2x1xi32>
    %slice3A_43 = vector.extract_strided_slice %add3A_40 {offsets = [0, 0], sizes = [510, 1], strides = [1, 1]} : vector<512x1xi32> to vector<510x1xi32>
    %concatenate3A_44 = tpu.concatenate %broadcast_in_dim3A_42, %slice3A_43 in 0 : vector<2x1xi32>, vector<510x1xi32> -> vector<512x1xi32>
    %add3A_45 = arith.addi %add3A_40, %concatenate3A_44 : vector<512x1xi32>
    %broadcast_in_dim3A_46 = arith.constant 0 : i32
    %broadcast_in_dim3A_47 = vector.broadcast %broadcast_in_dim3A_46 : i32 to vector<4x1xi32>
    %slice3A_48 = vector.extract_strided_slice %add3A_45 {offsets = [0, 0], sizes = [508, 1], strides = [1, 1]} : vector<512x1xi32> to vector<508x1xi32>
    %concatenate3A_49 = tpu.concatenate %broadcast_in_dim3A_47, %slice3A_48 in 0 : vector<4x1xi32>, vector<508x1xi32> -> vector<512x1xi32>
    %add3A_50 = arith.addi %add3A_45, %concatenate3A_49 : vector<512x1xi32>
    %broadcast_in_dim3A_51 = arith.constant 0 : i32
    %broadcast_in_dim3A_52 = vector.broadcast %broadcast_in_dim3A_51 : i32 to vector<8x1xi32>
    %slice3A_53 = vector.extract_strided_slice %add3A_50 {offsets = [0, 0], sizes = [504, 1], strides = [1, 1]} : vector<512x1xi32> to vector<504x1xi32>
    %concatenate3A_54 = tpu.concatenate %broadcast_in_dim3A_52, %slice3A_53 in 0 : vector<8x1xi32>, vector<504x1xi32> -> vector<512x1xi32>
    %add3A_55 = arith.addi %add3A_50, %concatenate3A_54 : vector<512x1xi32>
    %broadcast_in_dim3A_56 = arith.constant 0 : i32
    %broadcast_in_dim3A_57 = vector.broadcast %broadcast_in_dim3A_56 : i32 to vector<16x1xi32>
    %slice3A_58 = vector.extract_strided_slice %add3A_55 {offsets = [0, 0], sizes = [496, 1], strides = [1, 1]} : vector<512x1xi32> to vector<496x1xi32>
    %concatenate3A_59 = tpu.concatenate %broadcast_in_dim3A_57, %slice3A_58 in 0 : vector<16x1xi32>, vector<496x1xi32> -> vector<512x1xi32>
    %add3A_60 = arith.addi %add3A_55, %concatenate3A_59 : vector<512x1xi32>
    %broadcast_in_dim3A_61 = arith.constant 0 : i32
    %broadcast_in_dim3A_62 = vector.broadcast %broadcast_in_dim3A_61 : i32 to vector<32x1xi32>
    %slice3A_63 = vector.extract_strided_slice %add3A_60 {offsets = [0, 0], sizes = [480, 1], strides = [1, 1]} : vector<512x1xi32> to vector<480x1xi32>
    %concatenate3A_64 = tpu.concatenate %broadcast_in_dim3A_62, %slice3A_63 in 0 : vector<32x1xi32>, vector<480x1xi32> -> vector<512x1xi32>
    %add3A_65 = arith.addi %add3A_60, %concatenate3A_64 : vector<512x1xi32>
    %broadcast_in_dim3A_66 = arith.constant 0 : i32
    %broadcast_in_dim3A_67 = vector.broadcast %broadcast_in_dim3A_66 : i32 to vector<64x1xi32>
    %slice3A_68 = vector.extract_strided_slice %add3A_65 {offsets = [0, 0], sizes = [448, 1], strides = [1, 1]} : vector<512x1xi32> to vector<448x1xi32>
    %concatenate3A_69 = tpu.concatenate %broadcast_in_dim3A_67, %slice3A_68 in 0 : vector<64x1xi32>, vector<448x1xi32> -> vector<512x1xi32>
    %add3A_70 = arith.addi %add3A_65, %concatenate3A_69 : vector<512x1xi32>
    %broadcast_in_dim3A_71 = arith.constant 0 : i32
    %broadcast_in_dim3A_72 = vector.broadcast %broadcast_in_dim3A_71 : i32 to vector<128x1xi32>
    %slice3A_73 = vector.extract_strided_slice %add3A_70 {offsets = [0, 0], sizes = [384, 1], strides = [1, 1]} : vector<512x1xi32> to vector<384x1xi32>
    %concatenate3A_74 = tpu.concatenate %broadcast_in_dim3A_72, %slice3A_73 in 0 : vector<128x1xi32>, vector<384x1xi32> -> vector<512x1xi32>
    %add3A_75 = arith.addi %add3A_70, %concatenate3A_74 : vector<512x1xi32>
    %broadcast_in_dim3A_76 = arith.constant 0 : i32
    %broadcast_in_dim3A_77 = vector.broadcast %broadcast_in_dim3A_76 : i32 to vector<256x1xi32>
    %slice3A_78 = vector.extract_strided_slice %add3A_75 {offsets = [0, 0], sizes = [256, 1], strides = [1, 1]} : vector<512x1xi32> to vector<256x1xi32>
    %concatenate3A_79 = tpu.concatenate %broadcast_in_dim3A_77, %slice3A_78 in 0 : vector<256x1xi32>, vector<256x1xi32> -> vector<512x1xi32>
    %add3A_80 = arith.addi %add3A_75, %concatenate3A_79 : vector<512x1xi32>
    %sub3A = arith.subi %add3A_80, %slice3A_35 : vector<512x1xi32>
    %add3A_81 = vector.broadcast %sub3A : vector<512x1xi32> to vector<512x128xi32>
    %add3A_82 = arith.addi %add3A_34, %add3A_81 : vector<512x128xi32>
    %iota3A = tpu.iota {dimensions = array<i32: 0>} : vector<512x128xi32>
    %iota3A_83 = tpu.iota {dimensions = array<i32: 1>} : vector<512x128xi32>
    %mul3A = arith.constant 128 : i32
    %mul3A_84 = vector.broadcast %mul3A : i32 to vector<512x128xi32>
    %mul3A_85 = arith.muli %iota3A, %mul3A_84 : vector<512x128xi32>
    %add3A_86 = arith.addi %mul3A_85, %iota3A_83 : vector<512x128xi32>
    %lt3A = arith.constant 32768 : i32
    %lt3A_87 = vector.broadcast %lt3A : i32 to vector<512x128xi32>
    %lt3A_88 = arith.cmpi slt, %add3A_86, %lt3A_87 : vector<512x128xi32>
    %jit3A = arith.constant 0 : i32
    %broadcast_in_dim3A_89 = vector.broadcast %jit3A : i32 to vector<512x128xi32>
    %select_n3A = arith.select %lt3A_88, %reduce_sum3A_3, %broadcast_in_dim3A_89 : vector<512x128xi1>, vector<512x128xi32>
    %reduce_sum3A_90 = vector.shape_cast %select_n3A : vector<512x128xi32> to vector<1x512x128xi32>
    %reduce_sum3A_91 = arith.constant dense<0> : vector<1xi32>
    %reduce_sum3A_92 = vector.multi_reduction <add>, %reduce_sum3A_90, %reduce_sum3A_91 [1, 2] : vector<1x512x128xi32> to vector<1xi32>
    %reduce_sum3A_93 = vector.shape_cast %reduce_sum3A_92 : vector<1xi32> to vector<1x1x1xi32>
    %reduce_sum3A_94 = vector.extract %reduce_sum3A_93[0, 0, 0] : i32 from vector<1x1x1xi32>
    %sub3A_95 = arith.constant 1 : i32
    %sub3A_96 = arith.subi %reduce_sum3A_94, %sub3A_95 : i32
    %div3A = arith.constant 2 : i32
    %div3A_97 = arith.divsi %sub3A_96, %div3A : i32
    %le3A = vector.broadcast %div3A_97 : i32 to vector<512x128xi32>
    %le3A_98 = arith.cmpi sle, %add3A_82, %le3A : vector<512x128xi32>
    %convert_element_type3A = arith.extui %le3A_98 : vector<512x128xi1> to vector<512x128xi32>
    %reduce_sum3A_99 = vector.shape_cast %convert_element_type3A : vector<512x128xi32> to vector<1x512x128xi32>
    %reduce_sum3A_100 = arith.constant dense<0> : vector<1xi32>
    %reduce_sum3A_101 = vector.multi_reduction <add>, %reduce_sum3A_99, %reduce_sum3A_100 [1, 2] : vector<1x512x128xi32> to vector<1xi32>
    %reduce_sum3A_102 = vector.shape_cast %reduce_sum3A_101 : vector<1xi32> to vector<1x1x1xi32>
    %reduce_sum3A_103 = vector.extract %reduce_sum3A_102[0, 0, 0] : i32 from vector<1x1x1xi32>
    %jit3A_104 = arith.constant 0 : i32
    %broadcast_in_dim3A_105 = vector.broadcast %jit3A_104 : i32 to vector<512x128xi32>
    %select_n3A_106 = arith.select %le3A_98, %add3A_82, %broadcast_in_dim3A_105 : vector<512x128xi1>, vector<512x128xi32>
    %reduce_max3A = vector.shape_cast %select_n3A_106 : vector<512x128xi32> to vector<1x512x128xi32>
    %reduce_max3A_107 = arith.constant dense<-2147483648> : vector<1xi32>
    %reduce_max3A_108 = vector.multi_reduction <maxsi>, %reduce_max3A, %reduce_max3A_107 [1, 2] : vector<1x512x128xi32> to vector<1xi32>
    %reduce_max3A_109 = vector.shape_cast %reduce_max3A_108 : vector<1xi32> to vector<1x1x1xi32>
    %reduce_max3A_110 = vector.extract %reduce_max3A_109[0, 0, 0] : i32 from vector<1x1x1xi32>
    %sub3A_111 = arith.subi %div3A_97, %reduce_max3A_110 : i32
    %broadcast_in_dim3A_112 = arith.constant 0 : i32
    %broadcast_in_dim3A_113 = vector.broadcast %broadcast_in_dim3A_112 : i32 to vector<8x128xi32>
    %add3A_114 = vector.broadcast %reduce_sum3A_103 : i32 to vector<8x128xi32>
    %add3A_115 = arith.addi %broadcast_in_dim3A_113, %add3A_114 : vector<8x128xi32>
    %swap3A = arith.constant 0 : index
    %swap3A_116 = arith.constant 0 : index
    %swap3A_117 = vector.load %arg1[%swap3A, %swap3A_116] : memref<8x128xi32, #tpu.memory_space<vmem>>, vector<8x128xi32>
    tpu.vector_store %arg1[%swap3A, %swap3A_116], %add3A_115 {strides = array<i32>} : memref<8x128xi32, #tpu.memory_space<vmem>>, vector<8x128xi32>,
    %iota3A_118 = tpu.iota {dimensions = array<i32: 0>} : vector<8x128xi32>
    %eq3A = arith.constant 0 : i32
    %eq3A_119 = vector.broadcast %eq3A : i32 to vector<8x128xi32>
    %eq3A_120 = arith.cmpi eq, %iota3A_118, %eq3A_119 : vector<8x128xi32>
    %broadcast_in_dim3A_121 = vector.broadcast %sub3A_111 : i32 to vector<8x128xi32>
    %broadcast_in_dim3A_122 = vector.broadcast %reduce_sum3A_94 : i32 to vector<8x128xi32>
    %select_n3A_123 = arith.select %eq3A_120, %broadcast_in_dim3A_121, %broadcast_in_dim3A_122 : vector<8x128xi1>, vector<8x128xi32>
    %swap3A_124 = arith.constant 0 : index
    %swap3A_125 = arith.constant 0 : index
    %swap3A_126 = vector.load %arg2[%swap3A_124, %swap3A_125] : memref<8x128xi32, #tpu.memory_space<vmem>>, vector<8x128xi32>
    tpu.vector_store %arg2[%swap3A_124, %swap3A_125], %select_n3A_123 {strides = array<i32>} : memref<8x128xi32, #tpu.memory_space<vmem>>, vector<8x128xi32>,
    return
  }
}

module attributes {stable_mosaic.version = 14 : i64} {
  func.func @_combo_body(%arg0: i32, %arg1: i32, %arg2: memref<1x3x256x512xf32, #tpu.memory_space<vmem>>, %arg3: memref<1024x128xi32, #tpu.memory_space<vmem>>) attributes {dimension_semantics = [#tpu.dimension_semantics<arbitrary>, #tpu.dimension_semantics<arbitrary>], iteration_bounds = array<i64: 8, 2>, scalar_prefetch = 0 : i64, scratch_operands = 0 : i64, tpu.core_type = #tpu.core_type<tc>, window_params = [{transform_indices = @transform_0, window_bounds = array<i64: 1, 3, 256, 512>}, {transform_indices = @transform_1, window_bounds = array<i64: 1024, 128>}]} {
    %get3A = arith.constant 0 : index
    %get3A_0 = arith.constant 0 : index
    %get3A_1 = arith.constant 0 : index
    %get3A_2 = arith.constant 0 : index
    %get3A_3 = vector.load %arg2[%get3A, %get3A_0, %get3A_1, %get3A_2] : memref<1x3x256x512xf32, #tpu.memory_space<vmem>>, vector<1x3x256x512xf32>
    %get3A_4 = vector.shape_cast %get3A_3 : vector<1x3x256x512xf32> to vector<3x256x512xf32>
    %slice3A = vector.extract_strided_slice %get3A_4 {offsets = [0, 0, 0], sizes = [1, 256, 512], strides = [1, 1, 1]} : vector<3x256x512xf32> to vector<1x256x512xf32>
    %squeeze3A = vector.shape_cast %slice3A : vector<1x256x512xf32> to vector<256x512xf32>
    %slice3A_5 = vector.extract_strided_slice %get3A_4 {offsets = [1, 0, 0], sizes = [1, 256, 512], strides = [1, 1, 1]} : vector<3x256x512xf32> to vector<1x256x512xf32>
    %squeeze3A_6 = vector.shape_cast %slice3A_5 : vector<1x256x512xf32> to vector<256x512xf32>
    %slice3A_7 = vector.extract_strided_slice %get3A_4 {offsets = [2, 0, 0], sizes = [1, 256, 512], strides = [1, 1, 1]} : vector<3x256x512xf32> to vector<1x256x512xf32>
    %squeeze3A_8 = vector.shape_cast %slice3A_7 : vector<1x256x512xf32> to vector<256x512xf32>
    %mul3A = arith.constant 2.990000e-01 : f32
    %mul3A_9 = vector.broadcast %mul3A : f32 to vector<256x512xf32>
    %mul3A_10 = arith.mulf %squeeze3A, %mul3A_9 : vector<256x512xf32>
    %mul3A_11 = arith.constant 5.870000e-01 : f32
    %mul3A_12 = vector.broadcast %mul3A_11 : f32 to vector<256x512xf32>
    %mul3A_13 = arith.mulf %squeeze3A_6, %mul3A_12 : vector<256x512xf32>
    %add3A = arith.addf %mul3A_10, %mul3A_13 : vector<256x512xf32>
    %mul3A_14 = arith.constant 1.140000e-01 : f32
    %mul3A_15 = vector.broadcast %mul3A_14 : f32 to vector<256x512xf32>
    %mul3A_16 = arith.mulf %squeeze3A_8, %mul3A_15 : vector<256x512xf32>
    %add3A_17 = arith.addf %add3A, %mul3A_16 : vector<256x512xf32>
    %bitcast_convert_type3A = tpu.bitcast %add3A_17 : vector<256x512xf32> -> vector<256x512xi32>
    %add3A_18 = arith.addf %squeeze3A, %squeeze3A_6 : vector<256x512xf32>
    %add3A_19 = arith.addf %add3A_18, %squeeze3A_8 : vector<256x512xf32>
    %gt3A = arith.constant 1.500000e+00 : f32
    %gt3A_20 = vector.broadcast %gt3A : f32 to vector<256x512xf32>
    %gt3A_21 = arith.cmpf ogt, %add3A_19, %gt3A_20 : vector<256x512xf32>
    %or3A = arith.constant -2147483648 : i32
    %or3A_22 = vector.broadcast %or3A : i32 to vector<256x512xi32>
    %or3A_23 = arith.ori %bitcast_convert_type3A, %or3A_22 : vector<256x512xi32>
    %select_n3A = arith.select %gt3A_21, %bitcast_convert_type3A, %or3A_23 : vector<256x512xi1>, vector<256x512xi32>
    %reshape3A = vector.shape_cast %select_n3A : vector<256x512xi32> to vector<1024x128xi32>
    %swap3A = arith.constant 0 : index
    %swap3A_24 = arith.constant 0 : index
    %swap3A_25 = vector.load %arg3[%swap3A, %swap3A_24] : memref<1024x128xi32, #tpu.memory_space<vmem>>, vector<1024x128xi32>
    tpu.vector_store %arg3[%swap3A, %swap3A_24], %reshape3A {strides = array<i32>} : memref<1024x128xi32, #tpu.memory_space<vmem>>, vector<1024x128xi32>,
    return
  }
  func.func @transform_0(%arg0: i32, %arg1: i32) -> (i32, i32, i32, i32) {
    %c0_i32 = arith.constant 0 : i32
    %c0_i32_0 = arith.constant 0 : i32
    %c0_i32_1 = arith.constant 0 : i32
    return %arg0, %c0_i32, %arg1, %c0_i32_0 : i32, i32, i32, i32
  }
  func.func @transform_1(%arg0: i32, %arg1: i32) -> (i32, i32) {
    %mul3A = arith.constant 2 : i32
    %mul3A_0 = arith.muli %arg0, %mul3A : i32
    %add3A = arith.addi %mul3A_0, %arg1 : i32
    %c0_i32 = arith.constant 0 : i32
    %c0_i32_1 = arith.constant 0 : i32
    return %add3A, %c0_i32 : i32, i32
  }
}

module attributes {stable_mosaic.version = 14 : i64} {
  func.func @_eq_body(%arg0: i32, %arg1: i32, %arg2: memref<32x512x128xi32, #tpu.memory_space<vmem>>, %arg3: memref<8x128xi32, #tpu.memory_space<vmem>>, %arg4: memref<8x128xi32, #tpu.memory_space<vmem>>, %arg5: memref<1024x128xi32, #tpu.memory_space<vmem>>, %arg6: memref<1x256x512xi32, #tpu.memory_space<vmem>>, %arg7: memref<1xi32, #tpu.memory_space<smem>>) attributes {dimension_semantics = [#tpu.dimension_semantics<arbitrary>, #tpu.dimension_semantics<arbitrary>], iteration_bounds = array<i64: 8, 2>, scalar_prefetch = 0 : i64, scratch_operands = 1 : i64, tpu.core_type = #tpu.core_type<tc>, window_params = [{pipeline_mode = #tpu.pipeline_mode<synchronous>, transform_indices = @transform_0, window_bounds = array<i64: 32, 512, 128>}, {pipeline_mode = #tpu.pipeline_mode<synchronous>, transform_indices = @transform_1, window_bounds = array<i64: 8, 128>}, {pipeline_mode = #tpu.pipeline_mode<synchronous>, transform_indices = @transform_2, window_bounds = array<i64: 8, 128>}, {transform_indices = @transform_3, window_bounds = array<i64: 1024, 128>}, {transform_indices = @transform_4, window_bounds = array<i64: 1, 256, 512>}]} {
    %eq3A = arith.constant 0 : i32
    %eq3A_0 = arith.cmpi eq, %arg0, %eq3A : i32
    %eq3A_1 = arith.constant 0 : i32
    %eq3A_2 = arith.cmpi eq, %arg1, %eq3A_1 : i32
    %and3A = arith.andi %eq3A_0, %eq3A_2 : i1
    %convert_element_type3A = arith.extui %and3A : i1 to i32
    %cond3A = arith.constant 0 : i32
    %cond3A_3 = arith.cmpi ne, %convert_element_type3A, %cond3A : i32
    scf.if %cond3A_3 {
      %get3A_19 = arith.constant 0 : index
      %get3A_20 = arith.constant 0 : index
      %get3A_21 = arith.constant 0 : index
      %get3A_22 = vector.load %arg2[%get3A_19, %get3A_20, %get3A_21] : memref<32x512x128xi32, #tpu.memory_space<vmem>>, vector<32x512x128xi32>
      %reduce_sum3A = arith.constant dense<0> : vector<512x128xi32>
      %reduce_sum3A_23 = vector.multi_reduction <add>, %get3A_22, %reduce_sum3A [0] : vector<32x512x128xi32> to vector<512x128xi32>
      %broadcast_in_dim3A = arith.constant 0 : i32
      %broadcast_in_dim3A_24 = vector.broadcast %broadcast_in_dim3A : i32 to vector<512x1xi32>
      %slice3A = vector.extract_strided_slice %reduce_sum3A_23 {offsets = [0, 0], sizes = [512, 127], strides = [1, 1]} : vector<512x128xi32> to vector<512x127xi32>
      %concatenate3A = tpu.concatenate %broadcast_in_dim3A_24, %slice3A in 1 : vector<512x1xi32>, vector<512x127xi32> -> vector<512x128xi32>
      %add3A = arith.addi %reduce_sum3A_23, %concatenate3A : vector<512x128xi32>
      %broadcast_in_dim3A_25 = arith.constant 0 : i32
      %broadcast_in_dim3A_26 = vector.broadcast %broadcast_in_dim3A_25 : i32 to vector<512x2xi32>
      %slice3A_27 = vector.extract_strided_slice %add3A {offsets = [0, 0], sizes = [512, 126], strides = [1, 1]} : vector<512x128xi32> to vector<512x126xi32>
      %concatenate3A_28 = tpu.concatenate %broadcast_in_dim3A_26, %slice3A_27 in 1 : vector<512x2xi32>, vector<512x126xi32> -> vector<512x128xi32>
      %add3A_29 = arith.addi %add3A, %concatenate3A_28 : vector<512x128xi32>
      %broadcast_in_dim3A_30 = arith.constant 0 : i32
      %broadcast_in_dim3A_31 = vector.broadcast %broadcast_in_dim3A_30 : i32 to vector<512x4xi32>
      %slice3A_32 = vector.extract_strided_slice %add3A_29 {offsets = [0, 0], sizes = [512, 124], strides = [1, 1]} : vector<512x128xi32> to vector<512x124xi32>
      %concatenate3A_33 = tpu.concatenate %broadcast_in_dim3A_31, %slice3A_32 in 1 : vector<512x4xi32>, vector<512x124xi32> -> vector<512x128xi32>
      %add3A_34 = arith.addi %add3A_29, %concatenate3A_33 : vector<512x128xi32>
      %broadcast_in_dim3A_35 = arith.constant 0 : i32
      %broadcast_in_dim3A_36 = vector.broadcast %broadcast_in_dim3A_35 : i32 to vector<512x8xi32>
      %slice3A_37 = vector.extract_strided_slice %add3A_34 {offsets = [0, 0], sizes = [512, 120], strides = [1, 1]} : vector<512x128xi32> to vector<512x120xi32>
      %concatenate3A_38 = tpu.concatenate %broadcast_in_dim3A_36, %slice3A_37 in 1 : vector<512x8xi32>, vector<512x120xi32> -> vector<512x128xi32>
      %add3A_39 = arith.addi %add3A_34, %concatenate3A_38 : vector<512x128xi32>
      %broadcast_in_dim3A_40 = arith.constant 0 : i32
      %broadcast_in_dim3A_41 = vector.broadcast %broadcast_in_dim3A_40 : i32 to vector<512x16xi32>
      %slice3A_42 = vector.extract_strided_slice %add3A_39 {offsets = [0, 0], sizes = [512, 112], strides = [1, 1]} : vector<512x128xi32> to vector<512x112xi32>
      %concatenate3A_43 = tpu.concatenate %broadcast_in_dim3A_41, %slice3A_42 in 1 : vector<512x16xi32>, vector<512x112xi32> -> vector<512x128xi32>
      %add3A_44 = arith.addi %add3A_39, %concatenate3A_43 : vector<512x128xi32>
      %broadcast_in_dim3A_45 = arith.constant 0 : i32
      %broadcast_in_dim3A_46 = vector.broadcast %broadcast_in_dim3A_45 : i32 to vector<512x32xi32>
      %slice3A_47 = vector.extract_strided_slice %add3A_44 {offsets = [0, 0], sizes = [512, 96], strides = [1, 1]} : vector<512x128xi32> to vector<512x96xi32>
      %concatenate3A_48 = tpu.concatenate %broadcast_in_dim3A_46, %slice3A_47 in 1 : vector<512x32xi32>, vector<512x96xi32> -> vector<512x128xi32>
      %add3A_49 = arith.addi %add3A_44, %concatenate3A_48 : vector<512x128xi32>
      %broadcast_in_dim3A_50 = arith.constant 0 : i32
      %broadcast_in_dim3A_51 = vector.broadcast %broadcast_in_dim3A_50 : i32 to vector<512x64xi32>
      %slice3A_52 = vector.extract_strided_slice %add3A_49 {offsets = [0, 0], sizes = [512, 64], strides = [1, 1]} : vector<512x128xi32> to vector<512x64xi32>
      %concatenate3A_53 = tpu.concatenate %broadcast_in_dim3A_51, %slice3A_52 in 1 : vector<512x64xi32>, vector<512x64xi32> -> vector<512x128xi32>
      %add3A_54 = arith.addi %add3A_49, %concatenate3A_53 : vector<512x128xi32>
      %slice3A_55 = vector.extract_strided_slice %add3A_54 {offsets = [0, 127], sizes = [512, 1], strides = [1, 1]} : vector<512x128xi32> to vector<512x1xi32>
      %broadcast_in_dim3A_56 = arith.constant 0 : i32
      %broadcast_in_dim3A_57 = vector.broadcast %broadcast_in_dim3A_56 : i32 to vector<1x1xi32>
      %slice3A_58 = vector.extract_strided_slice %slice3A_55 {offsets = [0, 0], sizes = [511, 1], strides = [1, 1]} : vector<512x1xi32> to vector<511x1xi32>
      %concatenate3A_59 = tpu.concatenate %broadcast_in_dim3A_57, %slice3A_58 in 0 : vector<1x1xi32>, vector<511x1xi32> -> vector<512x1xi32>
      %add3A_60 = arith.addi %slice3A_55, %concatenate3A_59 : vector<512x1xi32>
      %broadcast_in_dim3A_61 = arith.constant 0 : i32
      %broadcast_in_dim3A_62 = vector.broadcast %broadcast_in_dim3A_61 : i32 to vector<2x1xi32>
      %slice3A_63 = vector.extract_strided_slice %add3A_60 {offsets = [0, 0], sizes = [510, 1], strides = [1, 1]} : vector<512x1xi32> to vector<510x1xi32>
      %concatenate3A_64 = tpu.concatenate %broadcast_in_dim3A_62, %slice3A_63 in 0 : vector<2x1xi32>, vector<510x1xi32> -> vector<512x1xi32>
      %add3A_65 = arith.addi %add3A_60, %concatenate3A_64 : vector<512x1xi32>
      %broadcast_in_dim3A_66 = arith.constant 0 : i32
      %broadcast_in_dim3A_67 = vector.broadcast %broadcast_in_dim3A_66 : i32 to vector<4x1xi32>
      %slice3A_68 = vector.extract_strided_slice %add3A_65 {offsets = [0, 0], sizes = [508, 1], strides = [1, 1]} : vector<512x1xi32> to vector<508x1xi32>
      %concatenate3A_69 = tpu.concatenate %broadcast_in_dim3A_67, %slice3A_68 in 0 : vector<4x1xi32>, vector<508x1xi32> -> vector<512x1xi32>
      %add3A_70 = arith.addi %add3A_65, %concatenate3A_69 : vector<512x1xi32>
      %broadcast_in_dim3A_71 = arith.constant 0 : i32
      %broadcast_in_dim3A_72 = vector.broadcast %broadcast_in_dim3A_71 : i32 to vector<8x1xi32>
      %slice3A_73 = vector.extract_strided_slice %add3A_70 {offsets = [0, 0], sizes = [504, 1], strides = [1, 1]} : vector<512x1xi32> to vector<504x1xi32>
      %concatenate3A_74 = tpu.concatenate %broadcast_in_dim3A_72, %slice3A_73 in 0 : vector<8x1xi32>, vector<504x1xi32> -> vector<512x1xi32>
      %add3A_75 = arith.addi %add3A_70, %concatenate3A_74 : vector<512x1xi32>
      %broadcast_in_dim3A_76 = arith.constant 0 : i32
      %broadcast_in_dim3A_77 = vector.broadcast %broadcast_in_dim3A_76 : i32 to vector<16x1xi32>
      %slice3A_78 = vector.extract_strided_slice %add3A_75 {offsets = [0, 0], sizes = [496, 1], strides = [1, 1]} : vector<512x1xi32> to vector<496x1xi32>
      %concatenate3A_79 = tpu.concatenate %broadcast_in_dim3A_77, %slice3A_78 in 0 : vector<16x1xi32>, vector<496x1xi32> -> vector<512x1xi32>
      %add3A_80 = arith.addi %add3A_75, %concatenate3A_79 : vector<512x1xi32>
      %broadcast_in_dim3A_81 = arith.constant 0 : i32
      %broadcast_in_dim3A_82 = vector.broadcast %broadcast_in_dim3A_81 : i32 to vector<32x1xi32>
      %slice3A_83 = vector.extract_strided_slice %add3A_80 {offsets = [0, 0], sizes = [480, 1], strides = [1, 1]} : vector<512x1xi32> to vector<480x1xi32>
      %concatenate3A_84 = tpu.concatenate %broadcast_in_dim3A_82, %slice3A_83 in 0 : vector<32x1xi32>, vector<480x1xi32> -> vector<512x1xi32>
      %add3A_85 = arith.addi %add3A_80, %concatenate3A_84 : vector<512x1xi32>
      %broadcast_in_dim3A_86 = arith.constant 0 : i32
      %broadcast_in_dim3A_87 = vector.broadcast %broadcast_in_dim3A_86 : i32 to vector<64x1xi32>
      %slice3A_88 = vector.extract_strided_slice %add3A_85 {offsets = [0, 0], sizes = [448, 1], strides = [1, 1]} : vector<512x1xi32> to vector<448x1xi32>
      %concatenate3A_89 = tpu.concatenate %broadcast_in_dim3A_87, %slice3A_88 in 0 : vector<64x1xi32>, vector<448x1xi32> -> vector<512x1xi32>
      %add3A_90 = arith.addi %add3A_85, %concatenate3A_89 : vector<512x1xi32>
      %broadcast_in_dim3A_91 = arith.constant 0 : i32
      %broadcast_in_dim3A_92 = vector.broadcast %broadcast_in_dim3A_91 : i32 to vector<128x1xi32>
      %slice3A_93 = vector.extract_strided_slice %add3A_90 {offsets = [0, 0], sizes = [384, 1], strides = [1, 1]} : vector<512x1xi32> to vector<384x1xi32>
      %concatenate3A_94 = tpu.concatenate %broadcast_in_dim3A_92, %slice3A_93 in 0 : vector<128x1xi32>, vector<384x1xi32> -> vector<512x1xi32>
      %add3A_95 = arith.addi %add3A_90, %concatenate3A_94 : vector<512x1xi32>
      %broadcast_in_dim3A_96 = arith.constant 0 : i32
      %broadcast_in_dim3A_97 = vector.broadcast %broadcast_in_dim3A_96 : i32 to vector<256x1xi32>
      %slice3A_98 = vector.extract_strided_slice %add3A_95 {offsets = [0, 0], sizes = [256, 1], strides = [1, 1]} : vector<512x1xi32> to vector<256x1xi32>
      %concatenate3A_99 = tpu.concatenate %broadcast_in_dim3A_97, %slice3A_98 in 0 : vector<256x1xi32>, vector<256x1xi32> -> vector<512x1xi32>
      %add3A_100 = arith.addi %add3A_95, %concatenate3A_99 : vector<512x1xi32>
      %sub3A = arith.subi %add3A_100, %slice3A_55 : vector<512x1xi32>
      %add3A_101 = vector.broadcast %sub3A : vector<512x1xi32> to vector<512x128xi32>
      %add3A_102 = arith.addi %add3A_54, %add3A_101 : vector<512x128xi32>
      %get3A_103 = arith.constant 0 : index
      %get3A_104 = arith.constant 0 : index
      %get3A_105 = vector.load %arg4[%get3A_103, %get3A_104] : memref<8x128xi32, #tpu.memory_space<vmem>>, vector<1x1xi32>
      %get3A_106 = vector.extract %get3A_105[0, 0] : i32 from vector<1x1xi32>
      %get3A_107 = arith.constant 1 : index
      %get3A_108 = arith.constant 0 : index
      %get3A_109 = vector.load %arg4[%get3A_107, %get3A_108] : memref<8x128xi32, #tpu.memory_space<vmem>>, vector<1x1xi32>
      %get3A_110 = vector.extract %get3A_109[0, 0] : i32 from vector<1x1xi32>
      %get3A_111 = arith.constant 0 : index
      %get3A_112 = arith.constant 0 : index
      %get3A_113 = vector.load %arg3[%get3A_111, %get3A_112] : memref<8x128xi32, #tpu.memory_space<vmem>>, vector<1x1xi32>
      %get3A_114 = vector.extract %get3A_113[0, 0] : i32 from vector<1x1xi32>
      %le3A = vector.broadcast %get3A_106 : i32 to vector<512x128xi32>
      %le3A_115 = arith.cmpi sle, %add3A_102, %le3A : vector<512x128xi32>
      %convert_element_type3A_116 = arith.extui %le3A_115 : vector<512x128xi1> to vector<512x128xi32>
      %reduce_sum3A_117 = vector.shape_cast %convert_element_type3A_116 : vector<512x128xi32> to vector<1x512x128xi32>
      %reduce_sum3A_118 = arith.constant dense<0> : vector<1xi32>
      %reduce_sum3A_119 = vector.multi_reduction <add>, %reduce_sum3A_117, %reduce_sum3A_118 [1, 2] : vector<1x512x128xi32> to vector<1xi32>
      %reduce_sum3A_120 = vector.shape_cast %reduce_sum3A_119 : vector<1xi32> to vector<1x1x1xi32>
      %reduce_sum3A_121 = vector.extract %reduce_sum3A_120[0, 0, 0] : i32 from vector<1x1x1xi32>
      %eq3A_122 = arith.constant 0 : i32
      %eq3A_123 = arith.cmpi eq, %get3A_110, %eq3A_122 : i32
      %shift_left3A = arith.constant 16 : i32
      %shift_left3A_124 = arith.shli %get3A_114, %shift_left3A : i32
      %or3A = arith.ori %shift_left3A_124, %reduce_sum3A_121 : i32
      %jit3A = arith.constant -1 : i32
      %select_n3A = arith.select %eq3A_123, %jit3A, %or3A : i32
      %swap3A_125 = arith.constant 0 : index
      %swap3A_126 = memref.load %arg7[%swap3A_125] : memref<1xi32, #tpu.memory_space<smem>>
      memref.store %select_n3A, %arg7[%swap3A_125] : memref<1xi32, #tpu.memory_space<smem>>
    } else {
    }
    %get3A = arith.constant 0 : index
    %get3A_4 = memref.load %arg7[%get3A] : memref<1xi32, #tpu.memory_space<smem>>
    %get3A_5 = arith.constant 0 : index
    %get3A_6 = arith.constant 0 : index
    %get3A_7 = vector.load %arg5[%get3A_5, %get3A_6] : memref<1024x128xi32, #tpu.memory_space<vmem>>, vector<1024x128xi32>
    %and3A_8 = arith.constant 2147483647 : i32
    %and3A_9 = vector.broadcast %and3A_8 : i32 to vector<1024x128xi32>
    %and3A_10 = arith.andi %get3A_7, %and3A_9 : vector<1024x128xi32>
    %bitcast_convert_type3A = tpu.bitcast %and3A_10 : vector<1024x128xi32> -> vector<1024x128xi32>
    %eq3A_11 = vector.broadcast %get3A_4 : i32 to vector<1024x128xi32>
    %eq3A_12 = arith.cmpi eq, %bitcast_convert_type3A, %eq3A_11 : vector<1024x128xi32>
    %convert_element_type3A_13 = arith.extui %eq3A_12 : vector<1024x128xi1> to vector<1024x128xi32>
    %reshape3A = vector.shape_cast %convert_element_type3A_13 : vector<1024x128xi32> to vector<256x512xi32>
    %swap3A = arith.constant 0 : index
    %swap3A_14 = arith.constant 0 : index
    %swap3A_15 = arith.constant 0 : index
    %swap3A_16 = vector.load %arg6[%swap3A, %swap3A_14, %swap3A_15] : memref<1x256x512xi32, #tpu.memory_space<vmem>>, vector<1x256x512xi32>
    %swap3A_17 = vector.shape_cast %swap3A_16 : vector<1x256x512xi32> to vector<256x512xi32>
    %swap3A_18 = vector.shape_cast %reshape3A : vector<256x512xi32> to vector<1x256x512xi32>
    tpu.vector_store %arg6[%swap3A, %swap3A_14, %swap3A_15], %swap3A_18 {strides = array<i32>} : memref<1x256x512xi32, #tpu.memory_space<vmem>>, vector<1x256x512xi32>,
    return
  }
  func.func @transform_0(%arg0: i32, %arg1: i32) -> (i32, i32, i32) {
    %c0_i32 = arith.constant 0 : i32
    %c0_i32_0 = arith.constant 0 : i32
    %c0_i32_1 = arith.constant 0 : i32
    %c0_i32_2 = arith.constant 0 : i32
    return %c0_i32, %c0_i32_0, %c0_i32_1 : i32, i32, i32
  }
  func.func @transform_1(%arg0: i32, %arg1: i32) -> (i32, i32) {
    %c0_i32 = arith.constant 0 : i32
    %c0_i32_0 = arith.constant 0 : i32
    %c0_i32_1 = arith.constant 0 : i32
    return %c0_i32, %c0_i32_0 : i32, i32
  }
  func.func @transform_2(%arg0: i32, %arg1: i32) -> (i32, i32) {
    %c0_i32 = arith.constant 0 : i32
    %c0_i32_0 = arith.constant 0 : i32
    %c0_i32_1 = arith.constant 0 : i32
    return %c0_i32, %c0_i32_0 : i32, i32
  }
  func.func @transform_3(%arg0: i32, %arg1: i32) -> (i32, i32) {
    %mul3A = arith.constant 2 : i32
    %mul3A_0 = arith.muli %arg0, %mul3A : i32
    %add3A = arith.addi %mul3A_0, %arg1 : i32
    %c0_i32 = arith.constant 0 : i32
    %c0_i32_1 = arith.constant 0 : i32
    return %add3A, %c0_i32 : i32, i32
  }
  func.func @transform_4(%arg0: i32, %arg1: i32) -> (i32, i32, i32) {
    %c0_i32 = arith.constant 0 : i32
    %c0_i32_0 = arith.constant 0 : i32
    return %arg0, %arg1, %c0_i32 : i32, i32, i32
  }
}

</mosaic_0001>

<sc_bundles>
// kernel: kernel.10.cloned.1.call-start
scs
__scs_entry_jumppad:
0x0: {  	(pc) =	sbr.rel $0x88, $3  }
0x1: {  	(tag) =	ssettag $0x0;
	lr =	simm.s32 $0x1  }
0x2: {  	[smem:$0x3FA0] =	sst lr;
	_ =	strace $0xD0000000  }
0x3: {  	_ = 	snop  }
0x4: {  	_ = 	snop  }
0x5: {  	_ = 	snop  }
0x6: {  	_ = 	snop  }
0x7: {  	_ = 	snop  }
__scs_overlays_trampoline_lowered:
0x8: {  	[smem:$0x3FAF] =	sst s0  }
0x9: {  	[smem:$0x3FB0] =	sst s1  }
0xa: {  	[smem:$0x3FB1] =	sst s2  }
0xb: {  	[smem:$0x3FB2] =	sst s3  }
0xc: {  	[smem:$0x3FB3] =	sst s4  }
0xd: {  	[smem:$0x3FB4] =	sst s5  }
0xe: {  	[smem:$0x3FB5] =	sst s6  }
0xf: {  	[smem:$0x3FB6] =	sst s7  }
0x10: {  	[smem:$0x3FB7] =	sst s8  }
0x11: {  	[smem:$0x3FB8] =	sst s9;
	s0 =	simm.s32 @!p0 $0x0  }
0x12: {  	s1 =	sld [smem:$0x3F9E];
	s0 =	simm.s32 @p0 $0x1  }
0x13: {  	[smem:$0x3FB9] =	sst s0;
	s0 =	simm.s32 @!p1 $0x0  }
0x14: {  	s2 =	sld [smem:$0x3F9D];
	s0 =	simm.s32 @p1 $0x1  }
0x15: {  	[smem:$0x3FBA] =	sst s0;
	s0 =	simm.s32 @!p2 $0x0  }
0x16: {  	s3 =	sld [smem:$0x3FDB];
	s0 =	simm.s32 @p2 $0x1  }
0x17: {  	s4 =	simm.s32 $0x1BF5;
	[smem:$0x3FBC] =	sst s0  }
0x18: {  	s0 =	sld [smem:$0x3F9F];
	_ =	swait.ge [sflag:s4], $0x0  }
0x19: {  	s7 =	sld [smem:$0x3FA0]  }
0x1a: {  	s8 =	sadd.s32 $0xFFFFE003, lr  }
0x1b: {  	s9 =	sadd.s32 $0xFFFFFEF7, lr;
	s5 =	simm.s32 $0xFFFFFFFF;
	p2 =	slt.u32 s8, $0xFFFFF086  }
0x1c: {  	p1 =	slt.u32 s9, $0xF7A;
	s5 =	simm.s32 @!p2 $0x0  }
0x1d: {  	s5 =	simm.s32 @p1 $0x1;
	p0 =	seq.s32 s7, s2  }
0x1e: {  	s7 =	smul.u32 @!p0 $0xF7A, s2;
	p2 =	seq.s32 @!p0 s5, $0x0  }
0x1f: {  	s9 =	smul.u32 $0xF7A, s1;
	s8 =	simm.s32 @!p0 $0x1BF5;
	p2 =	por !p2, p0  }
0x20: {  	[sflag:s8] =	ssyncset.s32 @!p0 $0xFFFFF086;
	s6 =	sadd.s32 @!p0 s3, s7;
	s7 =	simm.s32 @!p0 $0x108  }
0x21: {  	s3 =	sadd.s32 s3, s9;
	s6 =	sadd.s32 @!p0 $0x88, s6;
	s7 =	simm.s32 @p2 $0x1082  }
0x22: {  	[simem:s7], [sflag:s8] =	dma.local @!p0 [hbm:s6], $0xF7A  }
0x23: {  	s9 =	sor.u32 $0xD0000000, s2;
	s6 =	simm.s32 $0x108;
	_ =	swait.ge @!p0 [sflag:s8], $0x0  }
0x24: {  	s3 =	sadd.s32 $0x88, s3;
	s6 =	simm.s32 @!p1 $0x1082;
	[sflag:s4] =	ssyncset.s32 $0xFFFFF086  }
0x25: {  	[simem:s6], [sflag:s4] =	dma.local [hbm:s3], $0xF7A  }
0x26: {  	[smem:$0x3FA0] =	sst s1;
	(tag) =	ssettag s2;
	_ =	strace s9  }
0x27: {  	s1 =	sld [smem:$0x3FB0]  }
0x28: {  	s2 =	sld [smem:$0x3FB1]  }
0x29: {  	s4 =	sld [smem:$0x3FB3]  }
0x2a: {  	p0 =	seq.s32 s5, $0x0;
	s5 =	sld [smem:$0x3FB4]  }
0x2b: {  	s6 =	sld [smem:$0x3FB5]  }
0x2c: {  	s7 =	sld [smem:$0x3FB6]  }
0x2d: {  	s3 =	simm.s32 $0x108;
	s8 =	sld [smem:$0x3FB7]  }
0x2e: {  	s3 =	simm.s32 @!p0 $0x1082;
	s9 =	sld [smem:$0x3FB8]  }
0x2f: {  	lr =	sadd.s32 s0, s3;
	s0 =	sld [smem:$0x3FAF]  }
0x30: {  	s3 =	sld [smem:$0x3FB2]  }
0x31: {  	[smem:$0x3FBB] =	sst s10  }
0x32: {  	s10 =	sld [smem:$0x3FB9];
	_ =	sdelay $0x3  }
0x33: {  	p0 =	seq.s32 s10, $0x1;
	s10 =	sld [smem:$0x3FBB];
	_ =	sdelay $0x3  }
0x34: {  	[smem:$0x3FBB] =	sst s10  }
0x35: {  	s10 =	sld [smem:$0x3FBA];
	_ =	sdelay $0x3  }
0x36: {  	p1 =	seq.s32 s10, $0x1;
	s10 =	sld [smem:$0x3FBB];
	_ =	sdelay $0x3  }
0x37: {  	[smem:$0x3FBB] =	sst s10  }
0x38: {  	s10 =	sld [smem:$0x3FBC]  }
0x39: {  	_ = 	snop;
	(pc) =	sbr.ind lr, $3  }
0x3a: {  	_ = 	snop  }
0x3b: {  	_ = 	snop  }
0x3c: {  	p2 =	seq.s32 s10, $0x1;
	s10 =	sld [smem:$0x3FBB]  }
0x3d: {  	_ =	shalt  }
0x3e: {  	_ =	shalt  }
0x3f: {  	_ =	shalt  }
0x40: {  	_ =	shalt  }
0x41: {  	_ =	shalt  }
0x42: {  	_ =	shalt  }
0x43: {  	_ =	shalt  }
0x44: {  	_ =	shalt  }
0x45: {  	_ =	shalt  }
0x46: {  	_ =	shalt  }
0x47: {  	_ =	shalt  }
0x48: {  	_ =	shalt  }
0x49: {  	_ =	shalt  }
0x4a: {  	_ =	shalt  }
0x4b: {  	_ =	shalt  }
0x4c: {  	_ =	shalt  }
0x4d: {  	_ =	shalt  }
0x4e: {  	_ =	shalt  }
0x4f: {  	_ =	shalt  }
0x50: {  	_ =	shalt  }
0x51: {  	_ =	shalt  }
0x52: {  	_ =	shalt  }
0x53: {  	_ =	shalt  }
0x54: {  	_ =	shalt  }
0x55: {  	_ =	shalt  }
0x56: {  	_ =	shalt  }
0x57: {  	_ =	shalt  }
0x58: {  	_ =	shalt  }
0x59: {  	_ =	shalt  }
0x5a: {  	_ =	shalt  }
0x5b: {  	_ =	shalt  }
0x5c: {  	_ =	shalt  }
0x5d: {  	_ =	shalt  }
0x5e: {  	_ =	shalt  }
0x5f: {  	_ =	shalt  }
0x60: {  	_ =	shalt  }
0x61: {  	_ =	shalt  }
0x62: {  	_ =	shalt  }
0x63: {  	_ =	shalt  }
0x64: {  	_ =	shalt  }
0x65: {  	_ =	shalt  }
0x66: {  	_ =	shalt  }
0x67: {  	_ =	shalt  }
0x68: {  	_ =	shalt  }
0x69: {  	_ =	shalt  }
0x6a: {  	_ =	shalt  }
0x6b: {  	_ =	shalt  }
0x6c: {  	_ =	shalt  }
0x6d: {  	_ =	shalt  }
0x6e: {  	_ =	shalt  }
0x6f: {  	_ =	shalt  }
0x70: {  	_ =	shalt  }
0x71: {  	_ =	shalt  }
0x72: {  	_ =	shalt  }
0x73: {  	_ =	shalt  }
0x74: {  	_ =	shalt  }
0x75: {  	_ =	shalt  }
0x76: {  	_ =	shalt  }
0x77: {  	_ =	shalt  }
0x78: {  	_ =	shalt  }
0x79: {  	_ =	shalt  }
0x7a: {  	_ =	shalt  }
0x7b: {  	_ =	shalt  }
0x7c: {  	_ =	shalt  }
0x7d: {  	_ =	shalt  }
0x7e: {  	_ =	shalt  }
0x7f: {  	_ =	shalt  }
0x80: {  	_ =	shalt  }
0x81: {  	_ =	shalt  }
0x82: {  	_ =	shalt  }
0x83: {  	_ =	shalt  }
0x84: {  	_ =	shalt  }
0x85: {  	_ =	shalt  }
0x86: {  	_ =	shalt  }
0x87: {  	_ =	shalt  }
.Lfunc_end0:
.L_simem_size_0:
called_computation.1_lowered:
.L_overlay_start_0:
0x88: {  	s2 =	sld [smem:$0x3FD9]  }
0x89: {  	s3 =	sld [smem:$0x3FFE];
	_ =	sdelay $0x1  }
0x8a: {  	s1 =	srdreg.scid  }
0x8b: {  	s0 =	sand.u32 $0x1, s1  }
0x8c: {  	s17 =	sshll.u32 s0, $0xA;
	s2 =	sadd.s32 s3, s2  }
0x8d: {  	s2 =	sadd.s32 s2, s17  }
0x8e: {  	[smem:$0x3FC7] =	sst s2  }
0x8f: {  	_ = 	snop  }
0x90: {  	s2 =	sld [smem:$0x3FD0];
	(tm) =	ssettm $0x1  }
0x91: {  	s18 =	sld [smem:$0x3FFB];
	_ =	sdelay $0x3  }
0x92: {  	_ =	strace s18  }
0x93: {  	s3 =	sld [smem:$0x3FFC];
	_ =	sdelay $0x3  }
0x94: {  	_ =	strace s3  }
0x95: {  	s3 =	sld [smem:$0x3FFD];
	_ =	sdelay $0x3  }
0x96: {  	_ =	strace s3  }
0x97: {  	_ =	strace $0x8FFFFFFF  }
0x98: {  	s19 =	sld [smem:$0x3FDB];
	_ =	sdelay $0x1  }
0x99: {  	s4 =	simm.s32 $_scs_section_size  }
0x9a: {  	s5 =	simm.s32 $_size__tile_overlayer_lowered;
	s6 =	simm.s32 $_tile_overlayer_lowered  }
0x9b: {  	s22 =	simm.s32 $0x1BFF;
	s21 =	sshll.u32 s6, $0x1;
	s3 =	sadd.s32 s4, s19  }
0x9c: {  	s7 =	simm.s32 $0x0;
	s20 =	sshll.u32 s5, $0x1;
	s5 =	sadd.s32 s21, s3  }
0x9d: {  	[timem:s7], [sflag:s22] =	dma.local [hbm:s5], s20  }
0x9e: {  	_ =	swait.ge [sflag:s22], s20  }
0x9f: {  	s4 =	ssub.s32 $0x0, s20;
	[sflag:s22] =	ssyncset.done $0x0  }
0xa0: {  	[sflag:s22] =	ssyncadd.s32 s4;
	_ =	sdelay $0x1  }
0xa1: {  	s23 =	simm.s32 $0x1B8B  }
0xa2: {  	_ =	swait.ge [sflag:s23], $0x1  }
0xa3: {  	[sflag:s23] =	ssyncset.done $0x0  }
0xa4: {  	s25 =	simm.s32 $0x1B8E;
	s24 =	sld [smem:$0x3FFE];
	[sflag:s23] =	ssyncadd.s32 $0xFFFFFFFF  }
0xa5: {  	s26 =	simm.s32 $execute0_lowered;
	[smem:$0x3FD2] =	sst s25  }
0xa6: {  	s5 =	sshll.u32 s26, $0x1;
	_ =	strace $0x80000049;
	[dreg:$0x1] =	wrdreg $0xFFFFFFFF  }
0xa7: {  	s28 =	simm.s32 $_size_execute0_lowered;
	s3 =	sadd.s32 s3, s5;
	[dreg:$0x0] =	wrdreg $0x0  }
0xa8: {  	s5 =	sshll.u32 s28, $0x1;
	[dreg:$0x2] =	wrdreg s3  }
0xa9: {  	[dreg:$0x3] =	wrdreg s5  }
0xaa: {  	[dreg:$0x4] =	wrdreg $0xC0  }
0xab: {  	_ =	task [dreg:s7], $0x5FFFF  }
0xac: {  	[dreg:$0x1] =	wrdreg $0xFFFFFFFF  }
0xad: {  	[dreg:$0x0] =	wrdreg $0x60  }
0xae: {  	[dreg:$0x2] =	wrdreg s2  }
0xaf: {  	[dreg:$0x3] =	wrdreg s24  }
0xb0: {  	[dreg:$0x4] =	wrdreg $0x9  }
0xb1: {  	_ =	task.clear_ibuf [dreg:s7], $0x5FFFF;
	_ =	strace $0x90000049  }
0xb2: {  	s29 =	simm.s32 $0x9;
	_ =	strace $0x8000004B  }
0xb3: {  	_ =	swait.ge [sflag:s29], $0x1  }
0xb4: {  	[sflag:s29] =	ssyncadd.s32 $0xFFFFFFFF  }
0xb5: {  	_ =	strace $0x9000004B  }
0xb6: {  	_ =	sfence  }
0xb7: {  	s30 =	sld [smem:$0x0];
	_ =	sdelay $0x2  }
0xb8: {  	s31 =	sshll.u32 s1, $0xD;
	s1 =	sshrl.u32 s1, $0x2  }
0xb9: {  	s3 =	sand.u32 $0x4000, s31;
	s1 =	sadd.s32 s1, s30  }
0xba: {  	s0 =	sor.u32 s3, s0;
	s1 =	sshll.u32 s1, $0x11  }
0xbb: {  	s0 =	sor.u32 s1, s0  }
0xbc: {  	s0 =	sadd.s32 $0x8F2B, s0  }
0xbd: {  	[sflag:s0] =	ssyncadd.remote.s32 $0x1  }
0xbe: {  	_ =	sfence.sel $0xFFFF  }
0xbf: {  	[dreg:$0x0] =	wrdreg $0xFFFFFFFF;
	(pc) =	sbr.abs _section_cstart, $3  }
0xc0: {  	[dreg:$0x1] =	wrdreg $0xFFFFFFFF  }
0xc1: {  	_ =	task.clear_ibuf [dreg:s7], $0x2FFFF;
	_ =	strace $0x9FFFFFFF  }
0xc2: {  	(tm) =	ssettm $0x7FFFFFFF  }
0xc3: {  	_ =	shalt  }
tec
execute0_lowered:
.L_overlay_start_1:
0x0: {  	(tag) =	ssettag $0x1  }
0x1: {  	s4 =	rddreg [dreg:$0x0]  }
0x2: {  	s5 =	rddreg [dreg:$0x1]  }
0x3: {  	s0 =	rddreg [dreg:$0x2]  }
0x4: {  	s2 =	simm.s32 $0x0;
	s3 =	srdreg.scid;
	s1 =	stileid.u32  }
0x5: {  	s11 =	simm.s32 $0x3;
	s12 =	simm.s32 $0x4000;
	s13 =	simm.s32 $0x1  }
0x6: {  	s14 =	simm.s32 $0x8000;
	s15 =	simm.s32 $0x2;
	s16 =	simm.s32 $0x0  }
0x7: {  	[smem:$0x7FF] =	sst s2;
	s3 =	sand.u32 $0x1, s3;
	s6 =	sshll.u32 s1, $0xE  }
0x8: {  	_ =	strace $0x8000004A;
	s7 =	sshll.u32 s3, $0xD;
	s8 =	ssub.s32 $0x2, s3  }
0x9: {  	s3 =	sadd.s32 $0x1C00, s5;
	s6 =	sor.u32 s7, s6;
	s31 =	sshrl.u32 s8, $0x1  }
0xa: {  	s9 =	sadd.s32 s6, s5;
	s10 =	ssub.s32 s8, s31;
	s4 =	sadd.s32 s4, s6  }
0xb: {  	s5 =	sadd.s32 $0x800, s4;
	s6 =	sadd.s32 $0x1000, s4;
	s7 =	sadd.s32 $0x1800, s4  }
0xc: {  	v0 =	vimm.s32 $0x0;
	v1 =	vimm.s32 $0x1;
	s8 =	sadd.s32 $0x1E00, s9;
	s9 =	smax.u32 s10, $0x1;
	s10 =	simm.s32 $0x18400  }
.LBB2_1:
0xd: {  	s17 =	simm.s32 $0x0;
	s18 =	simm.s32 $0x200  }
.LBB2_2:
0xe: {  	p0 =	sne.s32 s18, $0x40E00;
	[tilespmem:s17+$0x8070] =	vst v0  }
0xf: {  	[tilespmem:s17+$0x8000] =	vst v0  }
0x10: {  	[tilespmem:s17+$0x8010] =	vst v0  }
.Ltmp0:
0x11: {  	[tilespmem:s17+$0x8020] =	vst v0;
	(pc) =	sbr.rel @p0 .LBB2_2-.Ltmp0, $4  }
0x12: {  	[tilespmem:s17+$0x8030] =	vst v0  }
0x13: {  	[tilespmem:s17+$0x8040] =	vst v0  }
0x14: {  	[tilespmem:s17+$0x8050] =	vst v0  }
0x15: {  	[tilespmem:s17+$0x8060] =	vst v0;
	s17 =	sshra.s32 s18, $0x2;
	s18 =	sadd.s32 $0x200, s18  }
0x16: {  	[tilespmem:s17+$0x8070] =	vst v0  }
0x17: {  	[tilespmem:s17+$0x8000] =	vst v0  }
0x18: {  	[tilespmem:s17+$0x8010] =	vst v0  }
0x19: {  	[tilespmem:s17+$0x8020] =	vst v0  }
0x1a: {  	[tilespmem:s17+$0x8030] =	vst v0  }
0x1b: {  	[tilespmem:s17+$0x8040] =	vst v0  }
0x1c: {  	[tilespmem:s17+$0x8050] =	vst v0  }
0x1d: {  	[tilespmem:s17+$0x8060] =	vst v0  }
0x1e: {  	[tilespmem:s10], [sflag:$0x3] =	stream.linear.gather [hbm4b:s3+s2], $0x80, $0x38;
	[tilespmem:$0x18480] =	vst v63  }
0x1f: {  	_ =	swait.ge [sflag:s11], $0x80  }
0x20: {  	[sflag:s11] =	ssyncset.done $0x0  }
0x21: {  	[sflag:s11] =	ssyncadd.s32 $0xFFFFFF80  }
0x22: {  	v2 =	vld [tilespmem:$0x18400];
	[tilespmem:s2], [sflag:$0x1] =	stream.linear.gather [hbm4b:s4+s2], $0x4000, $0x38  }
0x23: {  	_ = 	snop  }
0x24: {  	[tilespmem:s12], [sflag:$0x2] =	stream.linear.gather [hbm4b:s5+s2], $0x4000, $0x38;
	[tilespmem:$0x18480] =	vst v63  }
0x25: {  	_ =	swait.ge [sflag:s13], $0x4000  }
0x26: {  	[sflag:s13] =	ssyncset.done $0x0  }
0x27: {  	s17 =	simm.s32 $0x80;
	[sflag:s13] =	ssyncadd.s32 $0xFFFFC000  }
0x28: {  	v3 =	vld [tilespmem:s17+$0xFFFFFFA0]  }
0x29: {  	v4 =	vld [tilespmem:s17+$0xFFFFFFC0]  }
0x2a: {  	v5 =	vld [tilespmem:s17+$0xFFFFFF80]  }
0x2b: {  	v6 =	vld [tilespmem:s17+$0x70]  }
0x2c: {  	v7 =	vld [tilespmem:s17+$0x60]  }
0x2d: {  	v8 =	vld [tilespmem:s17+$0x50]  }
0x2e: {  	v9 =	vld [tilespmem:s17+$0x40]  }
0x2f: {  	v2 =	vshll.u32 v2, $0x10;
	v10 =	vld [tilespmem:s17+$0x30]  }
0x30: {  	v11 =	vld [tilespmem:s17+$0x20];
	v5 =	vxor.u32 v2, v5  }
0x31: {  	v12 =	vld [tilespmem:s17+$0x10];
	vm0 =	vlt.u32 v5, $0x10000  }
0x32: {  	v13 =	vld [tilespmem:s17+$0x0];
	v7 =	vxor.u32 v2, v7;
	v5 =	vmin.u32 v5, $0x10000  }
0x33: {  	v14 =	vld [tilespmem:s17+$0xFFFFFFF0];
	v6 =	vxor.u32 v2, v6;
	vm1 =	vlt.u32 v7, $0x10000  }
0x34: {  	v15 =	vld [tilespmem:s17+$0xFFFFFFE0];
	v9 =	vxor.u32 v2, v9;
	v7 =	vmin.u32 v7, $0x10000;
	vm4 =	vlt.u32 v6, $0x10000  }
0x35: {  	v16 =	vld [tilespmem:s17+$0xFFFFFFD0];
	v10 =	vxor.u32 v2, v10;
	vm2 =	vlt.u32 v9, $0x10000;
	v6 =	vmin.u32 v6, $0x10000  }
0x36: {  	v57 =	vld [tilespmem:s17+$0xFFFFFFB0];
	vm3 =	vlt.u32 v10, $0x10000;
	v9 =	vmin.u32 v9, $0x10000  }
0x37: {  	v8 =	vxor.u32 v2, v8;
	[tilespmem:v5+s14+$0x0] =	vst.idx.add.s32.msk vm0, v1;
	v5 =	vmin.u32 v10, $0x10000  }
0x38: {  	v58 =	vld [tilespmem:s17+$0xFFFFFF90];
	v11 =	vxor.u32 v2, v11;
	vm5 =	vlt.u32 v8, $0x10000  }
0x39: {  	v4 =	vxor.u32 v2, v4;
	vm0 =	vlt.u32 v11, $0x10000;
	[tilespmem:v7+s14+$0x0] =	vst.idx.add.s32.msk vm1, v1;
	v7 =	vmin.u32 v8, $0x10000  }
0x3a: {  	v13 =	vxor.u32 v2, v13;
	v11 =	vmin.u32 v11, $0x10000;
	[tilespmem:v6+s14+$0x0] =	vst.idx.add.s32.msk vm4, v1;
	vm4 =	vlt.u32 v4, $0x10000  }
0x3b: {  	v59 =	vxor.u32 v2, v14;
	[tilespmem:v9+s14+$0x0] =	vst.idx.add.s32.msk vm2, v1;
	vm2 =	vlt.u32 v13, $0x10000;
	v4 =	vmin.u32 v4, $0x10000  }
0x3c: {  	v15 =	vxor.u32 v2, v15;
	[tilespmem:v5+s14+$0x0] =	vst.idx.add.s32.msk vm3, v1;
	vm3 =	vlt.u32 v59, $0x10000;
	v5 =	vmin.u32 v13, $0x10000  }
0x3d: {  	v12 =	vxor.u32 v2, v12;
	vm6 =	vlt.u32 v15, $0x10000;
	v6 =	vmin.u32 v59, $0x10000  }
0x3e: {  	v61 =	vxor.u32 v2, v57;
	v60 =	vmin.u32 v15, $0x10000;
	vm1 =	vlt.u32 v12, $0x10000;
	[tilespmem:v7+s14+$0x0] =	vst.idx.add.s32.msk vm5, v1  }
0x3f: {  	v62 =	vxor.u32 v2, v3;
	vm7 =	vlt.u32 v61, $0x10000;
	v12 =	vmin.u32 v12, $0x10000;
	[tilespmem:v11+s14+$0x0] =	vst.idx.add.s32.msk vm0, v1  }
0x40: {  	v8 =	vxor.u32 v2, v58;
	v7 =	vmin.u32 v61, $0x10000;
	vm0 =	vlt.u32 v62, $0x10000;
	[tilespmem:v4+s14+$0x0] =	vst.idx.add.s32.msk vm4, v1  }
0x41: {  	v63 =	vxor.u32 v2, v16;
	[tilespmem:v5+s14+$0x0] =	vst.idx.add.s32.msk vm2, v1;
	vm2 =	vlt.u32 v8, $0x10000;
	v5 =	vmin.u32 v62, $0x10000  }
0x42: {  	v4 =	vmin.u32 v8, $0x10000;
	[tilespmem:v6+s14+$0x0] =	vst.idx.add.s32.msk vm3, v1;
	vm3 =	vlt.u32 v63, $0x10000  }
0x43: {  	v3 =	vmin.u32 v63, $0x10000;
	[tilespmem:v60+s14+$0x0] =	vst.idx.add.s32.msk vm6, v1  }
0x44: {  	[tilespmem:v12+s14+$0x0] =	vst.idx.add.s32.msk vm1, v1  }
0x45: {  	s18 =	simm.s32 $0x0;
	[tilespmem:v7+s14+$0x0] =	vst.idx.add.s32.msk vm7, v1  }
.LBB2_4:
0x46: {  	s18 =	sadd.s32 $0x10, s18;
	[tilespmem:v5+s14+$0x0] =	vst.idx.add.s32.msk vm0, v1;
	s17 =	sadd.s32 $0x100, s17  }
0x47: {  	p0 =	slt.u32 s18, $0x3F0;
	[tilespmem:v4+s14+$0x0] =	vst.idx.add.s32.msk vm2, v1  }
0x48: {  	[tilespmem:v3+s14+$0x0] =	vst.idx.add.s32.msk vm3, v1  }
0x49: {  	v3 =	vld [tilespmem:s17+$0xFFFFFFA0]  }
0x4a: {  	v4 =	vld [tilespmem:s17+$0xFFFFFFC0]  }
0x4b: {  	v5 =	vld [tilespmem:s17+$0xFFFFFF80]  }
0x4c: {  	v6 =	vld [tilespmem:s17+$0x70]  }
0x4d: {  	v7 =	vld [tilespmem:s17+$0x60]  }
0x4e: {  	v8 =	vld [tilespmem:s17+$0x50]  }
0x4f: {  	v9 =	vld [tilespmem:s17+$0x40]  }
0x50: {  	v5 =	vxor.u32 v2, v5;
	v10 =	vld [tilespmem:s17+$0x30]  }
0x51: {  	vm1 =	vlt.u32 v5, $0x10000;
	v11 =	vld [tilespmem:s17+$0x20];
	v6 =	vxor.u32 v2, v6  }
0x52: {  	v5 =	vmin.u32 v5, $0x10000;
	v12 =	vld [tilespmem:s17+$0x10];
	v7 =	vxor.u32 v2, v7  }
0x53: {  	v13 =	vxor.u32 v2, v3;
	v14 =	vmin.u32 v6, $0x10000;
	v3 =	vld [tilespmem:s17+$0x0];
	vm2 =	vlt.u32 v7, $0x10000  }
0x54: {  	vm0 =	vlt.u32 v6, $0x10000;
	v7 =	vmin.u32 v7, $0x10000;
	v15 =	vld [tilespmem:s17+$0xFFFFFFF0];
	v9 =	vxor.u32 v2, v9  }
0x55: {  	v8 =	vxor.u32 v2, v8;
	v6 =	vld [tilespmem:s17+$0xFFFFFFE0];
	v10 =	vxor.u32 v2, v10;
	vm3 =	vlt.u32 v9, $0x10000  }
0x56: {  	v9 =	vmin.u32 v9, $0x10000;
	v16 =	vld [tilespmem:s17+$0xFFFFFFD0];
	v11 =	vxor.u32 v2, v11;
	vm4 =	vlt.u32 v10, $0x10000  }
0x57: {  	v10 =	vmin.u32 v10, $0x10000;
	[tilespmem:v5+s14+$0x0] =	vst.idx.add.s32.msk vm1, v1;
	v5 =	vxor.u32 v2, v12;
	v12 =	vmin.u32 v11, $0x10000  }
0x58: {  	vm5 =	vlt.u32 v11, $0x10000;
	v11 =	vmin.u32 v8, $0x10000;
	v17 =	vld [tilespmem:s17+$0xFFFFFFB0];
	v18 =	vmin.u32 v5, $0x10000  }
0x59: {  	vm6 =	vlt.u32 v8, $0x10000;
	v3 =	vxor.u32 v2, v3;
	v15 =	vxor.u32 v2, v15;
	[tilespmem:v7+s14+$0x0] =	vst.idx.add.s32.msk vm2, v1  }
0x5a: {  	vm7 =	vlt.u32 v5, $0x10000;
	v7 =	vld [tilespmem:s17+$0xFFFFFF90];
	v6 =	vxor.u32 v2, v6;
	v8 =	vmin.u32 v15, $0x10000  }
0x5b: {  	vm9 =	vlt.u32 v3, $0x10000;
	vm1 =	vlt.u32 v15, $0x10000;
	vm8 =	vlt.u32 v6, $0x10000;
	[tilespmem:v9+s14+$0x0] =	vst.idx.add.s32.msk vm3, v1  }
0x5c: {  	v4 =	vxor.u32 v2, v4;
	v9 =	vxor.u32 v2, v16;
	v6 =	vmin.u32 v6, $0x10000;
	[tilespmem:v10+s14+$0x0] =	vst.idx.add.s32.msk vm4, v1  }
0x5d: {  	v15 =	vmin.u32 v3, $0x10000;
	v10 =	vmin.u32 v4, $0x10000;
	v5 =	vxor.u32 v2, v17;
	[tilespmem:v14+s14+$0x0] =	vst.idx.add.s32.msk vm0, v1  }
0x5e: {  	vm10 =	vlt.u32 v4, $0x10000;
	v14 =	vmin.u32 v5, $0x10000;
	vm4 =	vlt.u32 v5, $0x10000;
	[tilespmem:v12+s14+$0x0] =	vst.idx.add.s32.msk vm5, v1  }
0x5f: {  	v3 =	vmin.u32 v9, $0x10000;
	vm0 =	vlt.u32 v13, $0x10000;
	v4 =	vxor.u32 v2, v7;
	[tilespmem:v11+s14+$0x0] =	vst.idx.add.s32.msk vm6, v1  }
0x60: {  	v5 =	vmin.u32 v13, $0x10000;
	vm2 =	vlt.u32 v4, $0x10000;
	[tilespmem:v18+s14+$0x0] =	vst.idx.add.s32.msk vm7, v1  }
.Ltmp1:
0x61: {  	vm3 =	vlt.u32 v9, $0x10000;
	v4 =	vmin.u32 v4, $0x10000;
	[tilespmem:v6+s14+$0x0] =	vst.idx.add.s32.msk vm8, v1;
	(pc) =	sbr.rel @p0 .LBB2_4-.Ltmp1, $4  }
0x62: {  	[tilespmem:v15+s14+$0x0] =	vst.idx.add.s32.msk vm9, v1  }
0x63: {  	[tilespmem:v8+s14+$0x0] =	vst.idx.add.s32.msk vm1, v1  }
0x64: {  	[tilespmem:v10+s14+$0x0] =	vst.idx.add.s32.msk vm10, v1  }
0x65: {  	[tilespmem:v14+s14+$0x0] =	vst.idx.add.s32.msk vm4, v1  }
0x66: {  	_ =	sdelay $0x4  }
0x67: {  	[tilespmem:v5+s14+$0x0] =	vst.idx.add.s32.msk vm0, v1  }
0x68: {  	[tilespmem:v4+s14+$0x0] =	vst.idx.add.s32.msk vm2, v1  }
0x69: {  	[tilespmem:v3+s14+$0x0] =	vst.idx.add.s32.msk vm3, v1  }
0x6a: {  	[tilespmem:s2], [sflag:$0x1] =	stream.linear.gather [hbm4b:s6+s2], $0x4000, $0x38;
	[tilespmem:$0x18480] =	vst v63  }
0x6b: {  	_ =	swait.ge [sflag:s15], $0x4000  }
0x6c: {  	[sflag:s15] =	ssyncset.done $0x0  }
0x6d: {  	s17 =	simm.s32 $0x4080;
	[sflag:s15] =	ssyncadd.s32 $0xFFFFC000  }
0x6e: {  	v3 =	vld [tilespmem:s17+$0xFFFFFFA0]  }
0x6f: {  	v4 =	vld [tilespmem:s17+$0xFFFFFFC0]  }
0x70: {  	v5 =	vld [tilespmem:s17+$0xFFFFFF80]  }
0x71: {  	v6 =	vld [tilespmem:s17+$0x70]  }
0x72: {  	v7 =	vld [tilespmem:s17+$0x60]  }
0x73: {  	v8 =	vld [tilespmem:s17+$0x50]  }
0x74: {  	v9 =	vld [tilespmem:s17+$0x40]  }
0x75: {  	v10 =	vld [tilespmem:s17+$0x30]  }
0x76: {  	v11 =	vld [tilespmem:s17+$0x20];
	v5 =	vxor.u32 v2, v5  }
0x77: {  	v12 =	vld [tilespmem:s17+$0x10];
	vm0 =	vlt.u32 v5, $0x10000  }
0x78: {  	v13 =	vld [tilespmem:s17+$0x0];
	v7 =	vxor.u32 v2, v7;
	v5 =	vmin.u32 v5, $0x10000  }
0x79: {  	v14 =	vld [tilespmem:s17+$0xFFFFFFF0];
	v6 =	vxor.u32 v2, v6;
	vm1 =	vlt.u32 v7, $0x10000  }
0x7a: {  	v15 =	vld [tilespmem:s17+$0xFFFFFFE0];
	v9 =	vxor.u32 v2, v9;
	v7 =	vmin.u32 v7, $0x10000;
	vm4 =	vlt.u32 v6, $0x10000  }
0x7b: {  	v16 =	vld [tilespmem:s17+$0xFFFFFFD0];
	v10 =	vxor.u32 v2, v10;
	vm2 =	vlt.u32 v9, $0x10000;
	v6 =	vmin.u32 v6, $0x10000  }
0x7c: {  	v57 =	vld [tilespmem:s17+$0xFFFFFFB0];
	vm3 =	vlt.u32 v10, $0x10000;
	v9 =	vmin.u32 v9, $0x10000  }
0x7d: {  	v8 =	vxor.u32 v2, v8;
	[tilespmem:v5+s14+$0x0] =	vst.idx.add.s32.msk vm0, v1;
	v5 =	vmin.u32 v10, $0x10000  }
0x7e: {  	v58 =	vld [tilespmem:s17+$0xFFFFFF90];
	v11 =	vxor.u32 v2, v11;
	vm5 =	vlt.u32 v8, $0x10000  }
0x7f: {  	v4 =	vxor.u32 v2, v4;
	vm0 =	vlt.u32 v11, $0x10000;
	[tilespmem:v7+s14+$0x0] =	vst.idx.add.s32.msk vm1, v1;
	v7 =	vmin.u32 v8, $0x10000  }
0x80: {  	v13 =	vxor.u32 v2, v13;
	v11 =	vmin.u32 v11, $0x10000;
	[tilespmem:v6+s14+$0x0] =	vst.idx.add.s32.msk vm4, v1;
	vm4 =	vlt.u32 v4, $0x10000  }
0x81: {  	v59 =	vxor.u32 v2, v14;
	[tilespmem:v9+s14+$0x0] =	vst.idx.add.s32.msk vm2, v1;
	vm2 =	vlt.u32 v13, $0x10000;
	v4 =	vmin.u32 v4, $0x10000  }
0x82: {  	v15 =	vxor.u32 v2, v15;
	[tilespmem:v5+s14+$0x0] =	vst.idx.add.s32.msk vm3, v1;
	vm3 =	vlt.u32 v59, $0x10000;
	v5 =	vmin.u32 v13, $0x10000  }
0x83: {  	v12 =	vxor.u32 v2, v12;
	vm6 =	vlt.u32 v15, $0x10000;
	v6 =	vmin.u32 v59, $0x10000  }
0x84: {  	v61 =	vxor.u32 v2, v57;
	v60 =	vmin.u32 v15, $0x10000;
	vm1 =	vlt.u32 v12, $0x10000;
	[tilespmem:v7+s14+$0x0] =	vst.idx.add.s32.msk vm5, v1  }
0x85: {  	v62 =	vxor.u32 v2, v3;
	vm7 =	vlt.u32 v61, $0x10000;
	v12 =	vmin.u32 v12, $0x10000;
	[tilespmem:v11+s14+$0x0] =	vst.idx.add.s32.msk vm0, v1  }
0x86: {  	v8 =	vxor.u32 v2, v58;
	v7 =	vmin.u32 v61, $0x10000;
	vm0 =	vlt.u32 v62, $0x10000;
	[tilespmem:v4+s14+$0x0] =	vst.idx.add.s32.msk vm4, v1  }
0x87: {  	v63 =	vxor.u32 v2, v16;
	[tilespmem:v5+s14+$0x0] =	vst.idx.add.s32.msk vm2, v1;
	vm2 =	vlt.u32 v8, $0x10000;
	v5 =	vmin.u32 v62, $0x10000  }
0x88: {  	v4 =	vmin.u32 v8, $0x10000;
	[tilespmem:v6+s14+$0x0] =	vst.idx.add.s32.msk vm3, v1;
	vm3 =	vlt.u32 v63, $0x10000  }
0x89: {  	v3 =	vmin.u32 v63, $0x10000;
	[tilespmem:v60+s14+$0x0] =	vst.idx.add.s32.msk vm6, v1  }
0x8a: {  	[tilespmem:v12+s14+$0x0] =	vst.idx.add.s32.msk vm1, v1  }
0x8b: {  	s18 =	simm.s32 $0x0;
	[tilespmem:v7+s14+$0x0] =	vst.idx.add.s32.msk vm7, v1  }
.LBB2_6:
0x8c: {  	s18 =	sadd.s32 $0x10, s18;
	[tilespmem:v5+s14+$0x0] =	vst.idx.add.s32.msk vm0, v1;
	s17 =	sadd.s32 $0x100, s17  }
0x8d: {  	p0 =	slt.u32 s18, $0x3F0;
	[tilespmem:v4+s14+$0x0] =	vst.idx.add.s32.msk vm2, v1  }
0x8e: {  	[tilespmem:v3+s14+$0x0] =	vst.idx.add.s32.msk vm3, v1  }
0x8f: {  	v3 =	vld [tilespmem:s17+$0xFFFFFFA0]  }
0x90: {  	v4 =	vld [tilespmem:s17+$0xFFFFFFC0]  }
0x91: {  	v5 =	vld [tilespmem:s17+$0xFFFFFF80]  }
0x92: {  	v6 =	vld [tilespmem:s17+$0x70]  }
0x93: {  	v7 =	vld [tilespmem:s17+$0x60]  }
0x94: {  	v8 =	vld [tilespmem:s17+$0x50]  }
0x95: {  	v9 =	vld [tilespmem:s17+$0x40]  }
0x96: {  	v5 =	vxor.u32 v2, v5;
	v10 =	vld [tilespmem:s17+$0x30]  }
0x97: {  	vm1 =	vlt.u32 v5, $0x10000;
	v11 =	vld [tilespmem:s17+$0x20];
	v6 =	vxor.u32 v2, v6  }
0x98: {  	v5 =	vmin.u32 v5, $0x10000;
	v12 =	vld [tilespmem:s17+$0x10];
	v7 =	vxor.u32 v2, v7  }
0x99: {  	v13 =	vxor.u32 v2, v3;
	v14 =	vmin.u32 v6, $0x10000;
	v3 =	vld [tilespmem:s17+$0x0];
	vm2 =	vlt.u32 v7, $0x10000  }
0x9a: {  	vm0 =	vlt.u32 v6, $0x10000;
	v7 =	vmin.u32 v7, $0x10000;
	v15 =	vld [tilespmem:s17+$0xFFFFFFF0];
	v9 =	vxor.u32 v2, v9  }
0x9b: {  	v8 =	vxor.u32 v2, v8;
	v6 =	vld [tilespmem:s17+$0xFFFFFFE0];
	v10 =	vxor.u32 v2, v10;
	vm3 =	vlt.u32 v9, $0x10000  }
0x9c: {  	v9 =	vmin.u32 v9, $0x10000;
	v16 =	vld [tilespmem:s17+$0xFFFFFFD0];
	v11 =	vxor.u32 v2, v11;
	vm4 =	vlt.u32 v10, $0x10000  }
0x9d: {  	v10 =	vmin.u32 v10, $0x10000;
	[tilespmem:v5+s14+$0x0] =	vst.idx.add.s32.msk vm1, v1;
	v5 =	vxor.u32 v2, v12;
	v12 =	vmin.u32 v11, $0x10000  }
0x9e: {  	vm5 =	vlt.u32 v11, $0x10000;
	v11 =	vmin.u32 v8, $0x10000;
	v17 =	vld [tilespmem:s17+$0xFFFFFFB0];
	v18 =	vmin.u32 v5, $0x10000  }
0x9f: {  	vm6 =	vlt.u32 v8, $0x10000;
	v3 =	vxor.u32 v2, v3;
	v15 =	vxor.u32 v2, v15;
	[tilespmem:v7+s14+$0x0] =	vst.idx.add.s32.msk vm2, v1  }
0xa0: {  	vm7 =	vlt.u32 v5, $0x10000;
	v7 =	vld [tilespmem:s17+$0xFFFFFF90];
	v6 =	vxor.u32 v2, v6;
	v8 =	vmin.u32 v15, $0x10000  }
0xa1: {  	vm9 =	vlt.u32 v3, $0x10000;
	vm1 =	vlt.u32 v15, $0x10000;
	vm8 =	vlt.u32 v6, $0x10000;
	[tilespmem:v9+s14+$0x0] =	vst.idx.add.s32.msk vm3, v1  }
0xa2: {  	v4 =	vxor.u32 v2, v4;
	v9 =	vxor.u32 v2, v16;
	v6 =	vmin.u32 v6, $0x10000;
	[tilespmem:v10+s14+$0x0] =	vst.idx.add.s32.msk vm4, v1  }
0xa3: {  	v15 =	vmin.u32 v3, $0x10000;
	v10 =	vmin.u32 v4, $0x10000;
	v5 =	vxor.u32 v2, v17;
	[tilespmem:v14+s14+$0x0] =	vst.idx.add.s32.msk vm0, v1  }
0xa4: {  	vm10 =	vlt.u32 v4, $0x10000;
	v14 =	vmin.u32 v5, $0x10000;
	vm4 =	vlt.u32 v5, $0x10000;
	[tilespmem:v12+s14+$0x0] =	vst.idx.add.s32.msk vm5, v1  }
0xa5: {  	v3 =	vmin.u32 v9, $0x10000;
	vm0 =	vlt.u32 v13, $0x10000;
	v4 =	vxor.u32 v2, v7;
	[tilespmem:v11+s14+$0x0] =	vst.idx.add.s32.msk vm6, v1  }
0xa6: {  	v5 =	vmin.u32 v13, $0x10000;
	vm2 =	vlt.u32 v4, $0x10000;
	[tilespmem:v18+s14+$0x0] =	vst.idx.add.s32.msk vm7, v1  }
.Ltmp2:
0xa7: {  	vm3 =	vlt.u32 v9, $0x10000;
	v4 =	vmin.u32 v4, $0x10000;
	[tilespmem:v6+s14+$0x0] =	vst.idx.add.s32.msk vm8, v1;
	(pc) =	sbr.rel @p0 .LBB2_6-.Ltmp2, $4  }
0xa8: {  	[tilespmem:v15+s14+$0x0] =	vst.idx.add.s32.msk vm9, v1  }
0xa9: {  	[tilespmem:v8+s14+$0x0] =	vst.idx.add.s32.msk vm1, v1  }
0xaa: {  	[tilespmem:v10+s14+$0x0] =	vst.idx.add.s32.msk vm10, v1  }
0xab: {  	[tilespmem:v14+s14+$0x0] =	vst.idx.add.s32.msk vm4, v1  }
0xac: {  	_ =	sdelay $0x4  }
0xad: {  	[tilespmem:v5+s14+$0x0] =	vst.idx.add.s32.msk vm0, v1  }
0xae: {  	[tilespmem:v4+s14+$0x0] =	vst.idx.add.s32.msk vm2, v1  }
0xaf: {  	[tilespmem:v3+s14+$0x0] =	vst.idx.add.s32.msk vm3, v1  }
0xb0: {  	[tilespmem:s12], [sflag:$0x2] =	stream.linear.gather [hbm4b:s7+s2], $0x4000, $0x38;
	[tilespmem:$0x18480] =	vst v63  }
0xb1: {  	_ =	swait.ge [sflag:s13], $0x4000  }
0xb2: {  	[sflag:s13] =	ssyncset.done $0x0  }
0xb3: {  	s17 =	simm.s32 $0x80;
	[sflag:s13] =	ssyncadd.s32 $0xFFFFC000  }
0xb4: {  	v3 =	vld [tilespmem:s17+$0xFFFFFFA0]  }
0xb5: {  	v4 =	vld [tilespmem:s17+$0xFFFFFFC0]  }
0xb6: {  	v5 =	vld [tilespmem:s17+$0xFFFFFF80]  }
0xb7: {  	v6 =	vld [tilespmem:s17+$0x70]  }
0xb8: {  	v7 =	vld [tilespmem:s17+$0x60]  }
0xb9: {  	v8 =	vld [tilespmem:s17+$0x50]  }
0xba: {  	v9 =	vld [tilespmem:s17+$0x40]  }
0xbb: {  	v10 =	vld [tilespmem:s17+$0x30]  }
0xbc: {  	v11 =	vld [tilespmem:s17+$0x20];
	v5 =	vxor.u32 v2, v5  }
0xbd: {  	v12 =	vld [tilespmem:s17+$0x10];
	vm0 =	vlt.u32 v5, $0x10000  }
0xbe: {  	v13 =	vld [tilespmem:s17+$0x0];
	v7 =	vxor.u32 v2, v7;
	v5 =	vmin.u32 v5, $0x10000  }
0xbf: {  	v14 =	vld [tilespmem:s17+$0xFFFFFFF0];
	v6 =	vxor.u32 v2, v6;
	vm1 =	vlt.u32 v7, $0x10000  }
0xc0: {  	v15 =	vld [tilespmem:s17+$0xFFFFFFE0];
	v9 =	vxor.u32 v2, v9;
	v7 =	vmin.u32 v7, $0x10000;
	vm4 =	vlt.u32 v6, $0x10000  }
0xc1: {  	v16 =	vld [tilespmem:s17+$0xFFFFFFD0];
	v10 =	vxor.u32 v2, v10;
	vm2 =	vlt.u32 v9, $0x10000;
	v6 =	vmin.u32 v6, $0x10000  }
0xc2: {  	v57 =	vld [tilespmem:s17+$0xFFFFFFB0];
	vm3 =	vlt.u32 v10, $0x10000;
	v9 =	vmin.u32 v9, $0x10000  }
0xc3: {  	v8 =	vxor.u32 v2, v8;
	[tilespmem:v5+s14+$0x0] =	vst.idx.add.s32.msk vm0, v1;
	v5 =	vmin.u32 v10, $0x10000  }
0xc4: {  	v58 =	vld [tilespmem:s17+$0xFFFFFF90];
	v11 =	vxor.u32 v2, v11;
	vm5 =	vlt.u32 v8, $0x10000  }
0xc5: {  	v4 =	vxor.u32 v2, v4;
	vm0 =	vlt.u32 v11, $0x10000;
	[tilespmem:v7+s14+$0x0] =	vst.idx.add.s32.msk vm1, v1;
	v7 =	vmin.u32 v8, $0x10000  }
0xc6: {  	v13 =	vxor.u32 v2, v13;
	v11 =	vmin.u32 v11, $0x10000;
	[tilespmem:v6+s14+$0x0] =	vst.idx.add.s32.msk vm4, v1;
	vm4 =	vlt.u32 v4, $0x10000  }
0xc7: {  	v59 =	vxor.u32 v2, v14;
	[tilespmem:v9+s14+$0x0] =	vst.idx.add.s32.msk vm2, v1;
	vm2 =	vlt.u32 v13, $0x10000;
	v4 =	vmin.u32 v4, $0x10000  }
0xc8: {  	v15 =	vxor.u32 v2, v15;
	[tilespmem:v5+s14+$0x0] =	vst.idx.add.s32.msk vm3, v1;
	vm3 =	vlt.u32 v59, $0x10000;
	v5 =	vmin.u32 v13, $0x10000  }
0xc9: {  	v12 =	vxor.u32 v2, v12;
	vm6 =	vlt.u32 v15, $0x10000;
	v6 =	vmin.u32 v59, $0x10000  }
0xca: {  	v61 =	vxor.u32 v2, v57;
	v60 =	vmin.u32 v15, $0x10000;
	vm1 =	vlt.u32 v12, $0x10000;
	[tilespmem:v7+s14+$0x0] =	vst.idx.add.s32.msk vm5, v1  }
0xcb: {  	v62 =	vxor.u32 v2, v3;
	vm7 =	vlt.u32 v61, $0x10000;
	v12 =	vmin.u32 v12, $0x10000;
	[tilespmem:v11+s14+$0x0] =	vst.idx.add.s32.msk vm0, v1  }
0xcc: {  	v8 =	vxor.u32 v2, v58;
	v7 =	vmin.u32 v61, $0x10000;
	vm0 =	vlt.u32 v62, $0x10000;
	[tilespmem:v4+s14+$0x0] =	vst.idx.add.s32.msk vm4, v1  }
0xcd: {  	v63 =	vxor.u32 v2, v16;
	[tilespmem:v5+s14+$0x0] =	vst.idx.add.s32.msk vm2, v1;
	vm2 =	vlt.u32 v8, $0x10000;
	v5 =	vmin.u32 v62, $0x10000  }
0xce: {  	v4 =	vmin.u32 v8, $0x10000;
	[tilespmem:v6+s14+$0x0] =	vst.idx.add.s32.msk vm3, v1;
	vm3 =	vlt.u32 v63, $0x10000  }
0xcf: {  	v3 =	vmin.u32 v63, $0x10000;
	[tilespmem:v60+s14+$0x0] =	vst.idx.add.s32.msk vm6, v1  }
0xd0: {  	[tilespmem:v12+s14+$0x0] =	vst.idx.add.s32.msk vm1, v1  }
0xd1: {  	s18 =	simm.s32 $0x0;
	[tilespmem:v7+s14+$0x0] =	vst.idx.add.s32.msk vm7, v1  }
.LBB2_8:
0xd2: {  	s18 =	sadd.s32 $0x10, s18;
	[tilespmem:v5+s14+$0x0] =	vst.idx.add.s32.msk vm0, v1;
	s17 =	sadd.s32 $0x100, s17  }
0xd3: {  	p0 =	slt.u32 s18, $0x3F0;
	[tilespmem:v4+s14+$0x0] =	vst.idx.add.s32.msk vm2, v1  }
0xd4: {  	[tilespmem:v3+s14+$0x0] =	vst.idx.add.s32.msk vm3, v1  }
0xd5: {  	v3 =	vld [tilespmem:s17+$0xFFFFFFA0]  }
0xd6: {  	v4 =	vld [tilespmem:s17+$0xFFFFFFC0]  }
0xd7: {  	v5 =	vld [tilespmem:s17+$0xFFFFFF80]  }
0xd8: {  	v6 =	vld [tilespmem:s17+$0x70]  }
0xd9: {  	v7 =	vld [tilespmem:s17+$0x60]  }
0xda: {  	v8 =	vld [tilespmem:s17+$0x50]  }
0xdb: {  	v9 =	vld [tilespmem:s17+$0x40]  }
0xdc: {  	v5 =	vxor.u32 v2, v5;
	v10 =	vld [tilespmem:s17+$0x30]  }
0xdd: {  	vm1 =	vlt.u32 v5, $0x10000;
	v11 =	vld [tilespmem:s17+$0x20];
	v6 =	vxor.u32 v2, v6  }
0xde: {  	v5 =	vmin.u32 v5, $0x10000;
	v12 =	vld [tilespmem:s17+$0x10];
	v7 =	vxor.u32 v2, v7  }
0xdf: {  	v13 =	vxor.u32 v2, v3;
	v14 =	vmin.u32 v6, $0x10000;
	v3 =	vld [tilespmem:s17+$0x0];
	vm2 =	vlt.u32 v7, $0x10000  }
0xe0: {  	vm0 =	vlt.u32 v6, $0x10000;
	v7 =	vmin.u32 v7, $0x10000;
	v15 =	vld [tilespmem:s17+$0xFFFFFFF0];
	v9 =	vxor.u32 v2, v9  }
0xe1: {  	v8 =	vxor.u32 v2, v8;
	v6 =	vld [tilespmem:s17+$0xFFFFFFE0];
	v10 =	vxor.u32 v2, v10;
	vm3 =	vlt.u32 v9, $0x10000  }
0xe2: {  	v9 =	vmin.u32 v9, $0x10000;
	v16 =	vld [tilespmem:s17+$0xFFFFFFD0];
	v11 =	vxor.u32 v2, v11;
	vm4 =	vlt.u32 v10, $0x10000  }
0xe3: {  	v10 =	vmin.u32 v10, $0x10000;
	[tilespmem:v5+s14+$0x0] =	vst.idx.add.s32.msk vm1, v1;
	v5 =	vxor.u32 v2, v12;
	v12 =	vmin.u32 v11, $0x10000  }
0xe4: {  	vm5 =	vlt.u32 v11, $0x10000;
	v11 =	vmin.u32 v8, $0x10000;
	v17 =	vld [tilespmem:s17+$0xFFFFFFB0];
	v18 =	vmin.u32 v5, $0x10000  }
0xe5: {  	vm6 =	vlt.u32 v8, $0x10000;
	v3 =	vxor.u32 v2, v3;
	v15 =	vxor.u32 v2, v15;
	[tilespmem:v7+s14+$0x0] =	vst.idx.add.s32.msk vm2, v1  }
0xe6: {  	vm7 =	vlt.u32 v5, $0x10000;
	v7 =	vld [tilespmem:s17+$0xFFFFFF90];
	v6 =	vxor.u32 v2, v6;
	v8 =	vmin.u32 v15, $0x10000  }
0xe7: {  	vm9 =	vlt.u32 v3, $0x10000;
	vm1 =	vlt.u32 v15, $0x10000;
	vm8 =	vlt.u32 v6, $0x10000;
	[tilespmem:v9+s14+$0x0] =	vst.idx.add.s32.msk vm3, v1  }
0xe8: {  	v4 =	vxor.u32 v2, v4;
	v9 =	vxor.u32 v2, v16;
	v6 =	vmin.u32 v6, $0x10000;
	[tilespmem:v10+s14+$0x0] =	vst.idx.add.s32.msk vm4, v1  }
0xe9: {  	v15 =	vmin.u32 v3, $0x10000;
	v10 =	vmin.u32 v4, $0x10000;
	v5 =	vxor.u32 v2, v17;
	[tilespmem:v14+s14+$0x0] =	vst.idx.add.s32.msk vm0, v1  }
0xea: {  	vm10 =	vlt.u32 v4, $0x10000;
	v14 =	vmin.u32 v5, $0x10000;
	vm4 =	vlt.u32 v5, $0x10000;
	[tilespmem:v12+s14+$0x0] =	vst.idx.add.s32.msk vm5, v1  }
0xeb: {  	v3 =	vmin.u32 v9, $0x10000;
	vm0 =	vlt.u32 v13, $0x10000;
	v4 =	vxor.u32 v2, v7;
	[tilespmem:v11+s14+$0x0] =	vst.idx.add.s32.msk vm6, v1  }
0xec: {  	v5 =	vmin.u32 v13, $0x10000;
	vm2 =	vlt.u32 v4, $0x10000;
	[tilespmem:v18+s14+$0x0] =	vst.idx.add.s32.msk vm7, v1  }
.Ltmp3:
0xed: {  	vm3 =	vlt.u32 v9, $0x10000;
	v4 =	vmin.u32 v4, $0x10000;
	[tilespmem:v6+s14+$0x0] =	vst.idx.add.s32.msk vm8, v1;
	(pc) =	sbr.rel @p0 .LBB2_8-.Ltmp3, $4  }
0xee: {  	[tilespmem:v15+s14+$0x0] =	vst.idx.add.s32.msk vm9, v1  }
0xef: {  	[tilespmem:v8+s14+$0x0] =	vst.idx.add.s32.msk vm1, v1  }
0xf0: {  	[tilespmem:v10+s14+$0x0] =	vst.idx.add.s32.msk vm10, v1  }
0xf1: {  	[tilespmem:v14+s14+$0x0] =	vst.idx.add.s32.msk vm4, v1  }
0xf2: {  	_ =	sdelay $0x4  }
0xf3: {  	[tilespmem:v5+s14+$0x0] =	vst.idx.add.s32.msk vm0, v1  }
0xf4: {  	[tilespmem:v4+s14+$0x0] =	vst.idx.add.s32.msk vm2, v1  }
0xf5: {  	[tilespmem:v3+s14+$0x0] =	vst.idx.add.s32.msk vm3, v1  }
0xf6: {  	_ =	swait.ge [sflag:s15], $0x4000  }
0xf7: {  	[sflag:s15] =	ssyncset.done $0x0  }
0xf8: {  	s17 =	simm.s32 $0x4080;
	[sflag:s15] =	ssyncadd.s32 $0xFFFFC000  }
0xf9: {  	v3 =	vld [tilespmem:s17+$0xFFFFFFA0]  }
0xfa: {  	v4 =	vld [tilespmem:s17+$0xFFFFFFC0]  }
0xfb: {  	v5 =	vld [tilespmem:s17+$0xFFFFFF80]  }
0xfc: {  	v6 =	vld [tilespmem:s17+$0x70]  }
0xfd: {  	v7 =	vld [tilespmem:s17+$0x60]  }
0xfe: {  	v8 =	vld [tilespmem:s17+$0x50]  }
0xff: {  	v9 =	vld [tilespmem:s17+$0x40]  }
0x100: {  	v10 =	vld [tilespmem:s17+$0x30]  }
0x101: {  	v11 =	vld [tilespmem:s17+$0x20];
	v5 =	vxor.u32 v2, v5  }
0x102: {  	v12 =	vld [tilespmem:s17+$0x10];
	vm0 =	vlt.u32 v5, $0x10000  }
0x103: {  	v13 =	vld [tilespmem:s17+$0x0];
	v7 =	vxor.u32 v2, v7;
	v5 =	vmin.u32 v5, $0x10000  }
0x104: {  	v14 =	vld [tilespmem:s17+$0xFFFFFFF0];
	v6 =	vxor.u32 v2, v6;
	vm1 =	vlt.u32 v7, $0x10000  }
0x105: {  	v15 =	vld [tilespmem:s17+$0xFFFFFFE0];
	v9 =	vxor.u32 v2, v9;
	v7 =	vmin.u32 v7, $0x10000;
	vm4 =	vlt.u32 v6, $0x10000  }
0x106: {  	v16 =	vld [tilespmem:s17+$0xFFFFFFD0];
	v10 =	vxor.u32 v2, v10;
	vm2 =	vlt.u32 v9, $0x10000;
	v6 =	vmin.u32 v6, $0x10000  }
0x107: {  	v57 =	vld [tilespmem:s17+$0xFFFFFFB0];
	vm3 =	vlt.u32 v10, $0x10000;
	v9 =	vmin.u32 v9, $0x10000  }
0x108: {  	v8 =	vxor.u32 v2, v8;
	[tilespmem:v5+s14+$0x0] =	vst.idx.add.s32.msk vm0, v1;
	v5 =	vmin.u32 v10, $0x10000  }
0x109: {  	v58 =	vld [tilespmem:s17+$0xFFFFFF90];
	v11 =	vxor.u32 v2, v11;
	vm5 =	vlt.u32 v8, $0x10000  }
0x10a: {  	v4 =	vxor.u32 v2, v4;
	vm0 =	vlt.u32 v11, $0x10000;
	[tilespmem:v7+s14+$0x0] =	vst.idx.add.s32.msk vm1, v1;
	v7 =	vmin.u32 v8, $0x10000  }
0x10b: {  	v13 =	vxor.u32 v2, v13;
	v11 =	vmin.u32 v11, $0x10000;
	[tilespmem:v6+s14+$0x0] =	vst.idx.add.s32.msk vm4, v1;
	vm4 =	vlt.u32 v4, $0x10000  }
0x10c: {  	v59 =	vxor.u32 v2, v14;
	[tilespmem:v9+s14+$0x0] =	vst.idx.add.s32.msk vm2, v1;
	vm2 =	vlt.u32 v13, $0x10000;
	v4 =	vmin.u32 v4, $0x10000  }
0x10d: {  	v15 =	vxor.u32 v2, v15;
	[tilespmem:v5+s14+$0x0] =	vst.idx.add.s32.msk vm3, v1;
	vm3 =	vlt.u32 v59, $0x10000;
	v5 =	vmin.u32 v13, $0x10000  }
0x10e: {  	v12 =	vxor.u32 v2, v12;
	vm6 =	vlt.u32 v15, $0x10000;
	v6 =	vmin.u32 v59, $0x10000  }
0x10f: {  	v61 =	vxor.u32 v2, v57;
	v60 =	vmin.u32 v15, $0x10000;
	vm1 =	vlt.u32 v12, $0x10000;
	[tilespmem:v7+s14+$0x0] =	vst.idx.add.s32.msk vm5, v1  }
0x110: {  	v62 =	vxor.u32 v2, v3;
	vm7 =	vlt.u32 v61, $0x10000;
	v12 =	vmin.u32 v12, $0x10000;
	[tilespmem:v11+s14+$0x0] =	vst.idx.add.s32.msk vm0, v1  }
0x111: {  	v8 =	vxor.u32 v2, v58;
	v7 =	vmin.u32 v61, $0x10000;
	vm0 =	vlt.u32 v62, $0x10000;
	[tilespmem:v4+s14+$0x0] =	vst.idx.add.s32.msk vm4, v1  }
0x112: {  	v63 =	vxor.u32 v2, v16;
	[tilespmem:v5+s14+$0x0] =	vst.idx.add.s32.msk vm2, v1;
	vm2 =	vlt.u32 v8, $0x10000;
	v5 =	vmin.u32 v62, $0x10000  }
0x113: {  	v4 =	vmin.u32 v8, $0x10000;
	[tilespmem:v6+s14+$0x0] =	vst.idx.add.s32.msk vm3, v1;
	vm3 =	vlt.u32 v63, $0x10000  }
0x114: {  	v3 =	vmin.u32 v63, $0x10000;
	[tilespmem:v60+s14+$0x0] =	vst.idx.add.s32.msk vm6, v1  }
0x115: {  	[tilespmem:v12+s14+$0x0] =	vst.idx.add.s32.msk vm1, v1  }
0x116: {  	s18 =	simm.s32 $0x0;
	[tilespmem:v7+s14+$0x0] =	vst.idx.add.s32.msk vm7, v1  }
.LBB2_10:
0x117: {  	s18 =	sadd.s32 $0x10, s18;
	[tilespmem:v5+s14+$0x0] =	vst.idx.add.s32.msk vm0, v1;
	s17 =	sadd.s32 $0x100, s17  }
0x118: {  	p0 =	slt.u32 s18, $0x3F0;
	[tilespmem:v4+s14+$0x0] =	vst.idx.add.s32.msk vm2, v1  }
0x119: {  	[tilespmem:v3+s14+$0x0] =	vst.idx.add.s32.msk vm3, v1  }
0x11a: {  	v3 =	vld [tilespmem:s17+$0xFFFFFFA0]  }
0x11b: {  	v4 =	vld [tilespmem:s17+$0xFFFFFFC0]  }
0x11c: {  	v5 =	vld [tilespmem:s17+$0xFFFFFF80]  }
0x11d: {  	v6 =	vld [tilespmem:s17+$0x70]  }
0x11e: {  	v7 =	vld [tilespmem:s17+$0x60]  }
0x11f: {  	v8 =	vld [tilespmem:s17+$0x50]  }
0x120: {  	v9 =	vld [tilespmem:s17+$0x40]  }
0x121: {  	v5 =	vxor.u32 v2, v5;
	v10 =	vld [tilespmem:s17+$0x30]  }
0x122: {  	vm1 =	vlt.u32 v5, $0x10000;
	v11 =	vld [tilespmem:s17+$0x20];
	v6 =	vxor.u32 v2, v6  }
0x123: {  	v5 =	vmin.u32 v5, $0x10000;
	v12 =	vld [tilespmem:s17+$0x10];
	v7 =	vxor.u32 v2, v7  }
0x124: {  	v13 =	vxor.u32 v2, v3;
	v14 =	vmin.u32 v6, $0x10000;
	v3 =	vld [tilespmem:s17+$0x0];
	vm2 =	vlt.u32 v7, $0x10000  }
0x125: {  	vm0 =	vlt.u32 v6, $0x10000;
	v7 =	vmin.u32 v7, $0x10000;
	v15 =	vld [tilespmem:s17+$0xFFFFFFF0];
	v9 =	vxor.u32 v2, v9  }
0x126: {  	v8 =	vxor.u32 v2, v8;
	v6 =	vld [tilespmem:s17+$0xFFFFFFE0];
	v10 =	vxor.u32 v2, v10;
	vm3 =	vlt.u32 v9, $0x10000  }
0x127: {  	v9 =	vmin.u32 v9, $0x10000;
	v16 =	vld [tilespmem:s17+$0xFFFFFFD0];
	v11 =	vxor.u32 v2, v11;
	vm4 =	vlt.u32 v10, $0x10000  }
0x128: {  	v10 =	vmin.u32 v10, $0x10000;
	[tilespmem:v5+s14+$0x0] =	vst.idx.add.s32.msk vm1, v1;
	v5 =	vxor.u32 v2, v12;
	v12 =	vmin.u32 v11, $0x10000  }
0x129: {  	vm5 =	vlt.u32 v11, $0x10000;
	v11 =	vmin.u32 v8, $0x10000;
	v17 =	vld [tilespmem:s17+$0xFFFFFFB0];
	v18 =	vmin.u32 v5, $0x10000  }
0x12a: {  	vm6 =	vlt.u32 v8, $0x10000;
	v3 =	vxor.u32 v2, v3;
	v15 =	vxor.u32 v2, v15;
	[tilespmem:v7+s14+$0x0] =	vst.idx.add.s32.msk vm2, v1  }
0x12b: {  	vm7 =	vlt.u32 v5, $0x10000;
	v7 =	vld [tilespmem:s17+$0xFFFFFF90];
	v6 =	vxor.u32 v2, v6;
	v8 =	vmin.u32 v15, $0x10000  }
0x12c: {  	vm9 =	vlt.u32 v3, $0x10000;
	vm1 =	vlt.u32 v15, $0x10000;
	vm8 =	vlt.u32 v6, $0x10000;
	[tilespmem:v9+s14+$0x0] =	vst.idx.add.s32.msk vm3, v1  }
0x12d: {  	v4 =	vxor.u32 v2, v4;
	v9 =	vxor.u32 v2, v16;
	v6 =	vmin.u32 v6, $0x10000;
	[tilespmem:v10+s14+$0x0] =	vst.idx.add.s32.msk vm4, v1  }
0x12e: {  	v15 =	vmin.u32 v3, $0x10000;
	v10 =	vmin.u32 v4, $0x10000;
	v5 =	vxor.u32 v2, v17;
	[tilespmem:v14+s14+$0x0] =	vst.idx.add.s32.msk vm0, v1  }
0x12f: {  	vm10 =	vlt.u32 v4, $0x10000;
	v14 =	vmin.u32 v5, $0x10000;
	vm4 =	vlt.u32 v5, $0x10000;
	[tilespmem:v12+s14+$0x0] =	vst.idx.add.s32.msk vm5, v1  }
0x130: {  	v3 =	vmin.u32 v9, $0x10000;
	vm0 =	vlt.u32 v13, $0x10000;
	v4 =	vxor.u32 v2, v7;
	[tilespmem:v11+s14+$0x0] =	vst.idx.add.s32.msk vm6, v1  }
0x131: {  	v5 =	vmin.u32 v13, $0x10000;
	vm2 =	vlt.u32 v4, $0x10000;
	[tilespmem:v18+s14+$0x0] =	vst.idx.add.s32.msk vm7, v1  }
.Ltmp4:
0x132: {  	vm3 =	vlt.u32 v9, $0x10000;
	v4 =	vmin.u32 v4, $0x10000;
	[tilespmem:v6+s14+$0x0] =	vst.idx.add.s32.msk vm8, v1;
	(pc) =	sbr.rel @p0 .LBB2_10-.Ltmp4, $4  }
0x133: {  	[tilespmem:v15+s14+$0x0] =	vst.idx.add.s32.msk vm9, v1  }
0x134: {  	[tilespmem:v8+s14+$0x0] =	vst.idx.add.s32.msk vm1, v1  }
0x135: {  	[tilespmem:v10+s14+$0x0] =	vst.idx.add.s32.msk vm10, v1  }
0x136: {  	[tilespmem:v14+s14+$0x0] =	vst.idx.add.s32.msk vm4, v1  }
0x137: {  	_ =	sdelay $0x4  }
0x138: {  	[tilespmem:v5+s14+$0x0] =	vst.idx.add.s32.msk vm0, v1;
	s16 =	sadd.s32 $0x1, s16  }
0x139: {  	[tilespmem:v4+s14+$0x0] =	vst.idx.add.s32.msk vm2, v1;
	p0 =	sne.s32 s16, s9  }
.Ltmp5:
0x13a: {  	[tilespmem:v3+s14+$0x0] =	vst.idx.add.s32.msk vm3, v1;
	(pc) =	sbr.rel @p0 .LBB2_1-.Ltmp5, $4  }
0x13b: {  	[hbm4b:s8+s2] =	stream.linear.scatter [tilespmem:s14], [sflag:$0x3], $0x10000, $0x38;
	[tilespmem:$0x18480] =	vst v63  }
0x13c: {  	_ =	swait.ge [sflag:s11], $0x10000  }
0x13d: {  	[sflag:s11] =	ssyncset.done $0x0  }
0x13e: {  	[sflag:s11] =	ssyncadd.s32 $0xFFFF0000  }
0x13f: {  	_ =	sfence.sel $0x180000  }
0x140: {  	[bflag:$0x0] =	sbarrier.arrive $0xFFFF  }
0x141: {  	p0 =	sne.s32 s1, $0x0;
	_ =	strace $0x9000004A  }
0x142: {  	s0 =	sadd.s32 @!p0 $0x100000, s0;
	[bflag:$0x2] =	sbarrier.arrive $0xFFFF  }
0x143: {  	[sflag:s0] =	ssyncadd.tile.s32 @!p0 $0x1;
	_ =	shalt  }
.Lfunc_end2:
_tile_overlayer_lowered:
.L_overlay_start_2:
0x144: {  	(tag) =	ssettag $0x2  }
0x145: {  	s0 =	rddreg [dreg:$0x0];
	s2 =	stileid.u32  }
0x146: {  	s1 =	rddreg [dreg:$0x1];
	p0 =	sne.s32 s2, $0x0  }
0x147: {  	s3 =	rddreg [dreg:$0x2];
	[bflag:$0x3] =	sbarrier.arrive $0xFFFF;
	s2 =	simm.s32 @!p0 $0x1C03  }
0x148: {  	[timem:s3], [sflag:s2] =	dma.local @!p0 [hbm:s0], s1  }
0x149: {  	s0 =	simm.s32 @!p0 $0x3  }
0x14a: {  	_ =	swait.ge @!p0 [sflag:s0], s1  }
0x14b: {  	s1 =	ssub.s32 @!p0 $0x0, s1;
	[sflag:s0] =	ssyncset.done @!p0 $0x0  }
0x14c: {  	[sflag:s0] =	ssyncadd.s32 @!p0 s1  }
0x14d: {  	[bflag:$0x3] =	sbarrier.arrive $0xFFFF  }
0x14e: {  	_ =	shalt  }

// kernel: kernel.7.cloned.1.call-start
scs
__scs_entry_jumppad:
0x0: {  	(pc) =	sbr.rel $0x88, $3  }
0x1: {  	(tag) =	ssettag $0x0;
	lr =	simm.s32 $0x1  }
0x2: {  	[smem:$0x3FA0] =	sst lr;
	_ =	strace $0xD0000000  }
0x3: {  	_ = 	snop  }
0x4: {  	_ = 	snop  }
0x5: {  	_ = 	snop  }
0x6: {  	_ = 	snop  }
0x7: {  	_ = 	snop  }
__scs_overlays_trampoline_lowered:
0x8: {  	[smem:$0x3FAF] =	sst s0  }
0x9: {  	[smem:$0x3FB0] =	sst s1  }
0xa: {  	[smem:$0x3FB1] =	sst s2  }
0xb: {  	[smem:$0x3FB2] =	sst s3  }
0xc: {  	[smem:$0x3FB3] =	sst s4  }
0xd: {  	[smem:$0x3FB4] =	sst s5  }
0xe: {  	[smem:$0x3FB5] =	sst s6  }
0xf: {  	[smem:$0x3FB6] =	sst s7  }
0x10: {  	[smem:$0x3FB7] =	sst s8  }
0x11: {  	[smem:$0x3FB8] =	sst s9;
	s0 =	simm.s32 @!p0 $0x0  }
0x12: {  	s1 =	sld [smem:$0x3F9E];
	s0 =	simm.s32 @p0 $0x1  }
0x13: {  	[smem:$0x3FB9] =	sst s0;
	s0 =	simm.s32 @!p1 $0x0  }
0x14: {  	s2 =	sld [smem:$0x3F9D];
	s0 =	simm.s32 @p1 $0x1  }
0x15: {  	[smem:$0x3FBA] =	sst s0;
	s0 =	simm.s32 @!p2 $0x0  }
0x16: {  	s3 =	sld [smem:$0x3FDB];
	s0 =	simm.s32 @p2 $0x1  }
0x17: {  	s4 =	simm.s32 $0x1BF5;
	[smem:$0x3FBC] =	sst s0  }
0x18: {  	s0 =	sld [smem:$0x3F9F];
	_ =	swait.ge [sflag:s4], $0x0  }
0x19: {  	s7 =	sld [smem:$0x3FA0]  }
0x1a: {  	s8 =	sadd.s32 $0xFFFFE003, lr  }
0x1b: {  	s9 =	sadd.s32 $0xFFFFFEF7, lr;
	s5 =	simm.s32 $0xFFFFFFFF;
	p2 =	slt.u32 s8, $0xFFFFF086  }
0x1c: {  	p1 =	slt.u32 s9, $0xF7A;
	s5 =	simm.s32 @!p2 $0x0  }
0x1d: {  	s5 =	simm.s32 @p1 $0x1;
	p0 =	seq.s32 s7, s2  }
0x1e: {  	s7 =	smul.u32 @!p0 $0xF7A, s2;
	p2 =	seq.s32 @!p0 s5, $0x0  }
0x1f: {  	s9 =	smul.u32 $0xF7A, s1;
	s8 =	simm.s32 @!p0 $0x1BF5;
	p2 =	por !p2, p0  }
0x20: {  	[sflag:s8] =	ssyncset.s32 @!p0 $0xFFFFF086;
	s6 =	sadd.s32 @!p0 s3, s7;
	s7 =	simm.s32 @!p0 $0x108  }
0x21: {  	s3 =	sadd.s32 s3, s9;
	s6 =	sadd.s32 @!p0 $0x88, s6;
	s7 =	simm.s32 @p2 $0x1082  }
0x22: {  	[simem:s7], [sflag:s8] =	dma.local @!p0 [hbm:s6], $0xF7A  }
0x23: {  	s9 =	sor.u32 $0xD0000000, s2;
	s6 =	simm.s32 $0x108;
	_ =	swait.ge @!p0 [sflag:s8], $0x0  }
0x24: {  	s3 =	sadd.s32 $0x88, s3;
	s6 =	simm.s32 @!p1 $0x1082;
	[sflag:s4] =	ssyncset.s32 $0xFFFFF086  }
0x25: {  	[simem:s6], [sflag:s4] =	dma.local [hbm:s3], $0xF7A  }
0x26: {  	[smem:$0x3FA0] =	sst s1;
	(tag) =	ssettag s2;
	_ =	strace s9  }
0x27: {  	s1 =	sld [smem:$0x3FB0]  }
0x28: {  	s2 =	sld [smem:$0x3FB1]  }
0x29: {  	s4 =	sld [smem:$0x3FB3]  }
0x2a: {  	p0 =	seq.s32 s5, $0x0;
	s5 =	sld [smem:$0x3FB4]  }
0x2b: {  	s6 =	sld [smem:$0x3FB5]  }
0x2c: {  	s7 =	sld [smem:$0x3FB6]  }
0x2d: {  	s3 =	simm.s32 $0x108;
	s8 =	sld [smem:$0x3FB7]  }
0x2e: {  	s3 =	simm.s32 @!p0 $0x1082;
	s9 =	sld [smem:$0x3FB8]  }
0x2f: {  	lr =	sadd.s32 s0, s3;
	s0 =	sld [smem:$0x3FAF]  }
0x30: {  	s3 =	sld [smem:$0x3FB2]  }
0x31: {  	[smem:$0x3FBB] =	sst s10  }
0x32: {  	s10 =	sld [smem:$0x3FB9];
	_ =	sdelay $0x3  }
0x33: {  	p0 =	seq.s32 s10, $0x1;
	s10 =	sld [smem:$0x3FBB];
	_ =	sdelay $0x3  }
0x34: {  	[smem:$0x3FBB] =	sst s10  }
0x35: {  	s10 =	sld [smem:$0x3FBA];
	_ =	sdelay $0x3  }
0x36: {  	p1 =	seq.s32 s10, $0x1;
	s10 =	sld [smem:$0x3FBB];
	_ =	sdelay $0x3  }
0x37: {  	[smem:$0x3FBB] =	sst s10  }
0x38: {  	s10 =	sld [smem:$0x3FBC]  }
0x39: {  	_ = 	snop;
	(pc) =	sbr.ind lr, $3  }
0x3a: {  	_ = 	snop  }
0x3b: {  	_ = 	snop  }
0x3c: {  	p2 =	seq.s32 s10, $0x1;
	s10 =	sld [smem:$0x3FBB]  }
0x3d: {  	_ =	shalt  }
0x3e: {  	_ =	shalt  }
0x3f: {  	_ =	shalt  }
0x40: {  	_ =	shalt  }
0x41: {  	_ =	shalt  }
0x42: {  	_ =	shalt  }
0x43: {  	_ =	shalt  }
0x44: {  	_ =	shalt  }
0x45: {  	_ =	shalt  }
0x46: {  	_ =	shalt  }
0x47: {  	_ =	shalt  }
0x48: {  	_ =	shalt  }
0x49: {  	_ =	shalt  }
0x4a: {  	_ =	shalt  }
0x4b: {  	_ =	shalt  }
0x4c: {  	_ =	shalt  }
0x4d: {  	_ =	shalt  }
0x4e: {  	_ =	shalt  }
0x4f: {  	_ =	shalt  }
0x50: {  	_ =	shalt  }
0x51: {  	_ =	shalt  }
0x52: {  	_ =	shalt  }
0x53: {  	_ =	shalt  }
0x54: {  	_ =	shalt  }
0x55: {  	_ =	shalt  }
0x56: {  	_ =	shalt  }
0x57: {  	_ =	shalt  }
0x58: {  	_ =	shalt  }
0x59: {  	_ =	shalt  }
0x5a: {  	_ =	shalt  }
0x5b: {  	_ =	shalt  }
0x5c: {  	_ =	shalt  }
0x5d: {  	_ =	shalt  }
0x5e: {  	_ =	shalt  }
0x5f: {  	_ =	shalt  }
0x60: {  	_ =	shalt  }
0x61: {  	_ =	shalt  }
0x62: {  	_ =	shalt  }
0x63: {  	_ =	shalt  }
0x64: {  	_ =	shalt  }
0x65: {  	_ =	shalt  }
0x66: {  	_ =	shalt  }
0x67: {  	_ =	shalt  }
0x68: {  	_ =	shalt  }
0x69: {  	_ =	shalt  }
0x6a: {  	_ =	shalt  }
0x6b: {  	_ =	shalt  }
0x6c: {  	_ =	shalt  }
0x6d: {  	_ =	shalt  }
0x6e: {  	_ =	shalt  }
0x6f: {  	_ =	shalt  }
0x70: {  	_ =	shalt  }
0x71: {  	_ =	shalt  }
0x72: {  	_ =	shalt  }
0x73: {  	_ =	shalt  }
0x74: {  	_ =	shalt  }
0x75: {  	_ =	shalt  }
0x76: {  	_ =	shalt  }
0x77: {  	_ =	shalt  }
0x78: {  	_ =	shalt  }
0x79: {  	_ =	shalt  }
0x7a: {  	_ =	shalt  }
0x7b: {  	_ =	shalt  }
0x7c: {  	_ =	shalt  }
0x7d: {  	_ =	shalt  }
0x7e: {  	_ =	shalt  }
0x7f: {  	_ =	shalt  }
0x80: {  	_ =	shalt  }
0x81: {  	_ =	shalt  }
0x82: {  	_ =	shalt  }
0x83: {  	_ =	shalt  }
0x84: {  	_ =	shalt  }
0x85: {  	_ =	shalt  }
0x86: {  	_ =	shalt  }
0x87: {  	_ =	shalt  }
.Lfunc_end0:
.L_simem_size_0:
called_computation_lowered:
.L_overlay_start_0:
0x88: {  	s2 =	sld [smem:$0x3FD9]  }
0x89: {  	s3 =	sld [smem:$0x3FFE];
	_ =	sdelay $0x1  }
0x8a: {  	s1 =	srdreg.scid  }
0x8b: {  	s0 =	sand.u32 $0x1, s1  }
0x8c: {  	s17 =	sshll.u32 s0, $0xA;
	s2 =	sadd.s32 s3, s2  }
0x8d: {  	s2 =	sadd.s32 s2, s17  }
0x8e: {  	[smem:$0x3FC7] =	sst s2  }
0x8f: {  	_ = 	snop  }
0x90: {  	s2 =	sld [smem:$0x3FD0];
	(tm) =	ssettm $0x1  }
0x91: {  	s18 =	sld [smem:$0x3FFB];
	_ =	sdelay $0x3  }
0x92: {  	_ =	strace s18  }
0x93: {  	s3 =	sld [smem:$0x3FFC];
	_ =	sdelay $0x3  }
0x94: {  	_ =	strace s3  }
0x95: {  	s3 =	sld [smem:$0x3FFD];
	_ =	sdelay $0x3  }
0x96: {  	_ =	strace s3  }
0x97: {  	_ =	strace $0x8FFFFFFF  }
0x98: {  	s19 =	sld [smem:$0x3FDB];
	_ =	sdelay $0x1  }
0x99: {  	s4 =	simm.s32 $_scs_section_size  }
0x9a: {  	s5 =	simm.s32 $_size__tile_overlayer_lowered;
	s6 =	simm.s32 $_tile_overlayer_lowered  }
0x9b: {  	s22 =	simm.s32 $0x1BFF;
	s21 =	sshll.u32 s6, $0x1;
	s3 =	sadd.s32 s4, s19  }
0x9c: {  	s7 =	simm.s32 $0x0;
	s20 =	sshll.u32 s5, $0x1;
	s5 =	sadd.s32 s21, s3  }
0x9d: {  	[timem:s7], [sflag:s22] =	dma.local [hbm:s5], s20  }
0x9e: {  	_ =	swait.ge [sflag:s22], s20  }
0x9f: {  	s4 =	ssub.s32 $0x0, s20;
	[sflag:s22] =	ssyncset.done $0x0  }
0xa0: {  	[sflag:s22] =	ssyncadd.s32 s4;
	_ =	sdelay $0x1  }
0xa1: {  	s23 =	simm.s32 $0x1B8B  }
0xa2: {  	_ =	swait.ge [sflag:s23], $0x1  }
0xa3: {  	[sflag:s23] =	ssyncset.done $0x0  }
0xa4: {  	s25 =	simm.s32 $0x1B8E;
	s24 =	sld [smem:$0x3FFE];
	[sflag:s23] =	ssyncadd.s32 $0xFFFFFFFF  }
0xa5: {  	s26 =	simm.s32 $execute0_lowered;
	[smem:$0x3FD2] =	sst s25  }
0xa6: {  	s5 =	sshll.u32 s26, $0x1;
	_ =	strace $0x80000046;
	[dreg:$0x1] =	wrdreg $0xFFFFFFFF  }
0xa7: {  	s28 =	simm.s32 $_size_execute0_lowered;
	s3 =	sadd.s32 s3, s5;
	[dreg:$0x0] =	wrdreg $0x0  }
0xa8: {  	s5 =	sshll.u32 s28, $0x1;
	[dreg:$0x2] =	wrdreg s3  }
0xa9: {  	[dreg:$0x3] =	wrdreg s5  }
0xaa: {  	[dreg:$0x4] =	wrdreg $0xC0  }
0xab: {  	_ =	task [dreg:s7], $0x5FFFF  }
0xac: {  	[dreg:$0x1] =	wrdreg $0xFFFFFFFF  }
0xad: {  	[dreg:$0x0] =	wrdreg $0x60  }
0xae: {  	[dreg:$0x2] =	wrdreg s2  }
0xaf: {  	[dreg:$0x3] =	wrdreg s24  }
0xb0: {  	[dreg:$0x4] =	wrdreg $0x9  }
0xb1: {  	_ =	task.clear_ibuf [dreg:s7], $0x5FFFF;
	_ =	strace $0x90000046  }
0xb2: {  	s29 =	simm.s32 $0x9;
	_ =	strace $0x80000048  }
0xb3: {  	_ =	swait.ge [sflag:s29], $0x1  }
0xb4: {  	[sflag:s29] =	ssyncadd.s32 $0xFFFFFFFF  }
0xb5: {  	_ =	strace $0x90000048  }
0xb6: {  	_ =	sfence  }
0xb7: {  	s30 =	sld [smem:$0x0];
	_ =	sdelay $0x2  }
0xb8: {  	s31 =	sshll.u32 s1, $0xD;
	s1 =	sshrl.u32 s1, $0x2  }
0xb9: {  	s3 =	sand.u32 $0x4000, s31;
	s1 =	sadd.s32 s1, s30  }
0xba: {  	s0 =	sor.u32 s3, s0;
	s1 =	sshll.u32 s1, $0x11  }
0xbb: {  	s0 =	sor.u32 s1, s0  }
0xbc: {  	s0 =	sadd.s32 $0x8F2B, s0  }
0xbd: {  	[sflag:s0] =	ssyncadd.remote.s32 $0x1  }
0xbe: {  	_ =	sfence.sel $0xFFFF  }
0xbf: {  	[dreg:$0x0] =	wrdreg $0xFFFFFFFF;
	(pc) =	sbr.abs _section_cstart, $3  }
0xc0: {  	[dreg:$0x1] =	wrdreg $0xFFFFFFFF  }
0xc1: {  	_ =	task.clear_ibuf [dreg:s7], $0x2FFFF;
	_ =	strace $0x9FFFFFFF  }
0xc2: {  	(tm) =	ssettm $0x7FFFFFFF  }
0xc3: {  	_ =	shalt  }
tec
execute0_lowered:
.L_overlay_start_1:
0x0: {  	(tag) =	ssettag $0x1  }
0x1: {  	s3 =	rddreg [dreg:$0x0]  }
0x2: {  	s4 =	rddreg [dreg:$0x1]  }
0x3: {  	s0 =	rddreg [dreg:$0x2];
	s5 =	srdreg.scid  }
0x4: {  	s2 =	simm.s32 $0x0;
	s1 =	stileid.u32;
	s9 =	simm.s32 $0x4000  }
0x5: {  	s10 =	simm.s32 $0x1;
	s11 =	simm.s32 $0x8000;
	s12 =	simm.s32 $0x2  }
0x6: {  	s13 =	simm.s32 $0x3;
	s14 =	simm.s32 $0x0;
	s5 =	sand.u32 $0x1, s5  }
0x7: {  	[smem:$0x7FF] =	sst s2;
	s6 =	sshll.u32 s1, $0xE;
	s7 =	sshll.u32 s5, $0xD  }
0x8: {  	_ =	strace $0x80000047;
	s5 =	ssub.s32 $0x2, s5;
	s6 =	sor.u32 s7, s6  }
0x9: {  	s31 =	sshrl.u32 s5, $0x1;
	s7 =	sadd.s32 s6, s4;
	s3 =	sadd.s32 s3, s6  }
0xa: {  	s8 =	ssub.s32 s5, s31;
	s4 =	sadd.s32 $0x800, s3;
	s5 =	sadd.s32 $0x1000, s3  }
0xb: {  	v0 =	vimm.s32 $0x0;
	v1 =	vimm.s32 $0x1;
	s6 =	sadd.s32 $0x1800, s3;
	s7 =	sadd.s32 $0x1C00, s7;
	s8 =	smax.u32 s8, $0x1  }
.LBB2_1:
0xc: {  	s15 =	simm.s32 $0x0;
	s16 =	simm.s32 $0x200  }
.LBB2_2:
0xd: {  	p0 =	sne.s32 s16, $0x3FE00;
	[tilespmem:s15+$0x8070] =	vst v0  }
0xe: {  	[tilespmem:s15+$0x8000] =	vst v0  }
0xf: {  	[tilespmem:s15+$0x8010] =	vst v0  }
.Ltmp0:
0x10: {  	[tilespmem:s15+$0x8020] =	vst v0;
	(pc) =	sbr.rel @p0 .LBB2_2-.Ltmp0, $4  }
0x11: {  	[tilespmem:s15+$0x8030] =	vst v0  }
0x12: {  	[tilespmem:s15+$0x8040] =	vst v0  }
0x13: {  	[tilespmem:s15+$0x8050] =	vst v0  }
0x14: {  	[tilespmem:s15+$0x8060] =	vst v0;
	s15 =	sshra.s32 s16, $0x2;
	s16 =	sadd.s32 $0x200, s16  }
0x15: {  	[tilespmem:s15+$0x8070] =	vst v0  }
0x16: {  	[tilespmem:s15+$0x8000] =	vst v0  }
0x17: {  	[tilespmem:s15+$0x8010] =	vst v0  }
0x18: {  	[tilespmem:s15+$0x8020] =	vst v0  }
0x19: {  	[tilespmem:s15+$0x8030] =	vst v0  }
0x1a: {  	[tilespmem:s15+$0x8040] =	vst v0  }
0x1b: {  	[tilespmem:s15+$0x8050] =	vst v0  }
0x1c: {  	[tilespmem:s15+$0x8060] =	vst v0  }
0x1d: {  	[tilespmem:s2], [sflag:$0x1] =	stream.linear.gather [hbm4b:s3+s2], $0x4000, $0x38;
	[tilespmem:$0x18000] =	vst v63  }
0x1e: {  	_ = 	snop  }
0x1f: {  	[tilespmem:s9], [sflag:$0x2] =	stream.linear.gather [hbm4b:s4+s2], $0x4000, $0x38;
	[tilespmem:$0x18000] =	vst v63  }
0x20: {  	_ =	swait.ge [sflag:s10], $0x4000  }
0x21: {  	[sflag:s10] =	ssyncset.done $0x0  }
0x22: {  	s15 =	simm.s32 $0x80;
	[sflag:s10] =	ssyncadd.s32 $0xFFFFC000  }
0x23: {  	v2 =	vld [tilespmem:s15+$0x10]  }
0x24: {  	v3 =	vld [tilespmem:s15+$0x0]  }
0x25: {  	v4 =	vld [tilespmem:s15+$0xFFFFFF80]  }
0x26: {  	v5 =	vld [tilespmem:s15+$0x70]  }
0x27: {  	v6 =	vld [tilespmem:s15+$0xFFFFFFA0]  }
0x28: {  	v7 =	vld [tilespmem:s15+$0xFFFFFFB0]  }
0x29: {  	v8 =	vld [tilespmem:s15+$0xFFFFFFC0]  }
0x2a: {  	v10 =	vld [tilespmem:s15+$0x50]  }
0x2b: {  	v11 =	vld [tilespmem:s15+$0x40];
	v4 =	vshrl.u32 v4, $0x10  }
0x2c: {  	v9 =	vld [tilespmem:s15+$0x60];
	v5 =	vshrl.u32 v5, $0x10  }
0x2d: {  	v12 =	vld [tilespmem:s15+$0x30]  }
0x2e: {  	v13 =	vld [tilespmem:s15+$0x20]  }
0x2f: {  	v14 =	vld [tilespmem:s15+$0xFFFFFFD0];
	v59 =	vshrl.u32 v10, $0x10  }
0x30: {  	v60 =	vshrl.u32 v11, $0x10;
	[tilespmem:v4+s11+$0x0] =	vst.idx.add.s32.msk $0xffff, v1  }
0x31: {  	v4 =	vshrl.u32 v9, $0x10;
	[tilespmem:v5+s11+$0x0] =	vst.idx.add.s32.msk $0xffff, v1  }
0x32: {  	v5 =	vld [tilespmem:s15+$0xFFFFFFF0]  }
0x33: {  	v61 =	vld [tilespmem:s15+$0xFFFFFFE0];
	v2 =	vshrl.u32 v2, $0x10  }
0x34: {  	v13 =	vshrl.u32 v13, $0x10;
	[tilespmem:v59+s11+$0x0] =	vst.idx.add.s32.msk $0xffff, v1  }
0x35: {  	v3 =	vshrl.u32 v3, $0x10;
	[tilespmem:v60+s11+$0x0] =	vst.idx.add.s32.msk $0xffff, v1  }
0x36: {  	v62 =	vshrl.u32 v12, $0x10;
	[tilespmem:v4+s11+$0x0] =	vst.idx.add.s32.msk $0xffff, v1  }
0x37: {  	v63 =	vshrl.u32 v14, $0x10;
	v4 =	vshrl.u32 v5, $0x10;
	v5 =	vld [tilespmem:s15+$0xFFFFFF90]  }
0x38: {  	[tilespmem:v2+s11+$0x0] =	vst.idx.add.s32.msk $0xffff, v1;
	v2 =	vshrl.u32 v7, $0x10  }
0x39: {  	v8 =	vshrl.u32 v8, $0x10;
	[tilespmem:v13+s11+$0x0] =	vst.idx.add.s32.msk $0xffff, v1  }
0x3a: {  	v6 =	vshrl.u32 v6, $0x10;
	[tilespmem:v3+s11+$0x0] =	vst.idx.add.s32.msk $0xffff, v1  }
0x3b: {  	[tilespmem:v62+s11+$0x0] =	vst.idx.add.s32.msk $0xffff, v1  }
0x3c: {  	[tilespmem:v63+s11+$0x0] =	vst.idx.add.s32.msk $0xffff, v1;
	v3 =	vshrl.u32 v5, $0x10  }
0x3d: {  	[tilespmem:v2+s11+$0x0] =	vst.idx.add.s32.msk $0xffff, v1;
	v2 =	vshrl.u32 v61, $0x10  }
0x3e: {  	[tilespmem:v8+s11+$0x0] =	vst.idx.add.s32.msk $0xffff, v1  }
0x3f: {  	[tilespmem:v6+s11+$0x0] =	vst.idx.add.s32.msk $0xffff, v1  }
0x40: {  	s16 =	simm.s32 $0x0;
	[tilespmem:v4+s11+$0x0] =	vst.idx.add.s32.msk $0xffff, v1  }
.LBB2_4:
0x41: {  	s16 =	sadd.s32 $0x10, s16;
	[tilespmem:v3+s11+$0x0] =	vst.idx.add.s32.msk $0xffff, v1;
	s15 =	sadd.s32 $0x100, s15  }
0x42: {  	p0 =	slt.u32 s16, $0x3F0;
	[tilespmem:v2+s11+$0x0] =	vst.idx.add.s32.msk $0xffff, v1  }
0x43: {  	v2 =	vld [tilespmem:s15+$0x10]  }
0x44: {  	v3 =	vld [tilespmem:s15+$0x0]  }
0x45: {  	v4 =	vld [tilespmem:s15+$0xFFFFFF80]  }
0x46: {  	v5 =	vld [tilespmem:s15+$0x70]  }
0x47: {  	v6 =	vld [tilespmem:s15+$0xFFFFFFA0]  }
0x48: {  	v7 =	vld [tilespmem:s15+$0xFFFFFFB0]  }
0x49: {  	v8 =	vld [tilespmem:s15+$0xFFFFFFC0]  }
0x4a: {  	v4 =	vshrl.u32 v4, $0x10;
	v9 =	vld [tilespmem:s15+$0x60]  }
0x4b: {  	v10 =	vld [tilespmem:s15+$0x50];
	v5 =	vshrl.u32 v5, $0x10  }
0x4c: {  	v11 =	vld [tilespmem:s15+$0x40]  }
0x4d: {  	v12 =	vld [tilespmem:s15+$0x30]  }
0x4e: {  	v13 =	vld [tilespmem:s15+$0x20]  }
0x4f: {  	[tilespmem:v4+s11+$0x0] =	vst.idx.add.s32.msk $0xffff, v1;
	v4 =	vshrl.u32 v9, $0x10  }
0x50: {  	v9 =	vshrl.u32 v10, $0x10;
	[tilespmem:v5+s11+$0x0] =	vst.idx.add.s32.msk $0xffff, v1  }
0x51: {  	v5 =	vld [tilespmem:s15+$0xFFFFFFF0];
	v10 =	vshrl.u32 v11, $0x10  }
0x52: {  	v11 =	vld [tilespmem:s15+$0xFFFFFFE0]  }
0x53: {  	v14 =	vld [tilespmem:s15+$0xFFFFFFD0];
	v13 =	vshrl.u32 v13, $0x10  }
0x54: {  	v15 =	vshrl.u32 v2, $0x10;
	[tilespmem:v4+s11+$0x0] =	vst.idx.add.s32.msk $0xffff, v1  }
0x55: {  	v3 =	vshrl.u32 v3, $0x10;
	[tilespmem:v9+s11+$0x0] =	vst.idx.add.s32.msk $0xffff, v1  }
0x56: {  	v4 =	vshrl.u32 v5, $0x10;
	[tilespmem:v10+s11+$0x0] =	vst.idx.add.s32.msk $0xffff, v1  }
0x57: {  	v9 =	vshrl.u32 v12, $0x10;
	v5 =	vld [tilespmem:s15+$0xFFFFFF90];
	v2 =	vshrl.u32 v11, $0x10  }
0x58: {  	v10 =	vshrl.u32 v14, $0x10;
	[tilespmem:v13+s11+$0x0] =	vst.idx.add.s32.msk $0xffff, v1  }
0x59: {  	v8 =	vshrl.u32 v8, $0x10;
	[tilespmem:v15+s11+$0x0] =	vst.idx.add.s32.msk $0xffff, v1  }
0x5a: {  	v7 =	vshrl.u32 v7, $0x10;
	[tilespmem:v3+s11+$0x0] =	vst.idx.add.s32.msk $0xffff, v1  }
0x5b: {  	v6 =	vshrl.u32 v6, $0x10;
	[tilespmem:v4+s11+$0x0] =	vst.idx.add.s32.msk $0xffff, v1  }
.Ltmp1:
0x5c: {  	v3 =	vshrl.u32 v5, $0x10;
	[tilespmem:v9+s11+$0x0] =	vst.idx.add.s32.msk $0xffff, v1;
	(pc) =	sbr.rel @p0 .LBB2_4-.Ltmp1, $4  }
0x5d: {  	[tilespmem:v10+s11+$0x0] =	vst.idx.add.s32.msk $0xffff, v1  }
0x5e: {  	[tilespmem:v8+s11+$0x0] =	vst.idx.add.s32.msk $0xffff, v1  }
0x5f: {  	[tilespmem:v7+s11+$0x0] =	vst.idx.add.s32.msk $0xffff, v1  }
0x60: {  	[tilespmem:v6+s11+$0x0] =	vst.idx.add.s32.msk $0xffff, v1  }
0x61: {  	_ =	sdelay $0x3  }
0x62: {  	[tilespmem:v3+s11+$0x0] =	vst.idx.add.s32.msk $0xffff, v1  }
0x63: {  	[tilespmem:v2+s11+$0x0] =	vst.idx.add.s32.msk $0xffff, v1  }
0x64: {  	[tilespmem:s2], [sflag:$0x1] =	stream.linear.gather [hbm4b:s5+s2], $0x4000, $0x38;
	[tilespmem:$0x18000] =	vst v63  }
0x65: {  	_ =	swait.ge [sflag:s12], $0x4000  }
0x66: {  	[sflag:s12] =	ssyncset.done $0x0  }
0x67: {  	s15 =	simm.s32 $0x4080;
	[sflag:s12] =	ssyncadd.s32 $0xFFFFC000  }
0x68: {  	v2 =	vld [tilespmem:s15+$0x10]  }
0x69: {  	v3 =	vld [tilespmem:s15+$0x0]  }
0x6a: {  	v4 =	vld [tilespmem:s15+$0xFFFFFF80]  }
0x6b: {  	v5 =	vld [tilespmem:s15+$0x70]  }
0x6c: {  	v6 =	vld [tilespmem:s15+$0xFFFFFFA0]  }
0x6d: {  	v7 =	vld [tilespmem:s15+$0xFFFFFFB0]  }
0x6e: {  	v8 =	vld [tilespmem:s15+$0xFFFFFFC0]  }
0x6f: {  	v10 =	vld [tilespmem:s15+$0x50]  }
0x70: {  	v11 =	vld [tilespmem:s15+$0x40];
	v4 =	vshrl.u32 v4, $0x10  }
0x71: {  	v9 =	vld [tilespmem:s15+$0x60];
	v5 =	vshrl.u32 v5, $0x10  }
0x72: {  	v12 =	vld [tilespmem:s15+$0x30]  }
0x73: {  	v13 =	vld [tilespmem:s15+$0x20]  }
0x74: {  	v14 =	vld [tilespmem:s15+$0xFFFFFFD0];
	v59 =	vshrl.u32 v10, $0x10  }
0x75: {  	v60 =	vshrl.u32 v11, $0x10;
	[tilespmem:v4+s11+$0x0] =	vst.idx.add.s32.msk $0xffff, v1  }
0x76: {  	v4 =	vshrl.u32 v9, $0x10;
	[tilespmem:v5+s11+$0x0] =	vst.idx.add.s32.msk $0xffff, v1  }
0x77: {  	v5 =	vld [tilespmem:s15+$0xFFFFFFF0]  }
0x78: {  	v61 =	vld [tilespmem:s15+$0xFFFFFFE0];
	v2 =	vshrl.u32 v2, $0x10  }
0x79: {  	v13 =	vshrl.u32 v13, $0x10;
	[tilespmem:v59+s11+$0x0] =	vst.idx.add.s32.msk $0xffff, v1  }
0x7a: {  	v3 =	vshrl.u32 v3, $0x10;
	[tilespmem:v60+s11+$0x0] =	vst.idx.add.s32.msk $0xffff, v1  }
0x7b: {  	v62 =	vshrl.u32 v12, $0x10;
	[tilespmem:v4+s11+$0x0] =	vst.idx.add.s32.msk $0xffff, v1  }
0x7c: {  	v63 =	vshrl.u32 v14, $0x10;
	v4 =	vshrl.u32 v5, $0x10;
	v5 =	vld [tilespmem:s15+$0xFFFFFF90]  }
0x7d: {  	[tilespmem:v2+s11+$0x0] =	vst.idx.add.s32.msk $0xffff, v1;
	v2 =	vshrl.u32 v7, $0x10  }
0x7e: {  	v8 =	vshrl.u32 v8, $0x10;
	[tilespmem:v13+s11+$0x0] =	vst.idx.add.s32.msk $0xffff, v1  }
0x7f: {  	v6 =	vshrl.u32 v6, $0x10;
	[tilespmem:v3+s11+$0x0] =	vst.idx.add.s32.msk $0xffff, v1  }
0x80: {  	[tilespmem:v62+s11+$0x0] =	vst.idx.add.s32.msk $0xffff, v1  }
0x81: {  	[tilespmem:v63+s11+$0x0] =	vst.idx.add.s32.msk $0xffff, v1;
	v3 =	vshrl.u32 v5, $0x10  }
0x82: {  	[tilespmem:v2+s11+$0x0] =	vst.idx.add.s32.msk $0xffff, v1;
	v2 =	vshrl.u32 v61, $0x10  }
0x83: {  	[tilespmem:v8+s11+$0x0] =	vst.idx.add.s32.msk $0xffff, v1  }
0x84: {  	[tilespmem:v6+s11+$0x0] =	vst.idx.add.s32.msk $0xffff, v1  }
0x85: {  	s16 =	simm.s32 $0x0;
	[tilespmem:v4+s11+$0x0] =	vst.idx.add.s32.msk $0xffff, v1  }
.LBB2_6:
0x86: {  	s16 =	sadd.s32 $0x10, s16;
	[tilespmem:v3+s11+$0x0] =	vst.idx.add.s32.msk $0xffff, v1;
	s15 =	sadd.s32 $0x100, s15  }
0x87: {  	p0 =	slt.u32 s16, $0x3F0;
	[tilespmem:v2+s11+$0x0] =	vst.idx.add.s32.msk $0xffff, v1  }
0x88: {  	v2 =	vld [tilespmem:s15+$0x10]  }
0x89: {  	v3 =	vld [tilespmem:s15+$0x0]  }
0x8a: {  	v4 =	vld [tilespmem:s15+$0xFFFFFF80]  }
0x8b: {  	v5 =	vld [tilespmem:s15+$0x70]  }
0x8c: {  	v6 =	vld [tilespmem:s15+$0xFFFFFFA0]  }
0x8d: {  	v7 =	vld [tilespmem:s15+$0xFFFFFFB0]  }
0x8e: {  	v8 =	vld [tilespmem:s15+$0xFFFFFFC0]  }
0x8f: {  	v4 =	vshrl.u32 v4, $0x10;
	v9 =	vld [tilespmem:s15+$0x60]  }
0x90: {  	v10 =	vld [tilespmem:s15+$0x50];
	v5 =	vshrl.u32 v5, $0x10  }
0x91: {  	v11 =	vld [tilespmem:s15+$0x40]  }
0x92: {  	v12 =	vld [tilespmem:s15+$0x30]  }
0x93: {  	v13 =	vld [tilespmem:s15+$0x20]  }
0x94: {  	[tilespmem:v4+s11+$0x0] =	vst.idx.add.s32.msk $0xffff, v1;
	v4 =	vshrl.u32 v9, $0x10  }
0x95: {  	v9 =	vshrl.u32 v10, $0x10;
	[tilespmem:v5+s11+$0x0] =	vst.idx.add.s32.msk $0xffff, v1  }
0x96: {  	v5 =	vld [tilespmem:s15+$0xFFFFFFF0];
	v10 =	vshrl.u32 v11, $0x10  }
0x97: {  	v11 =	vld [tilespmem:s15+$0xFFFFFFE0]  }
0x98: {  	v14 =	vld [tilespmem:s15+$0xFFFFFFD0];
	v13 =	vshrl.u32 v13, $0x10  }
0x99: {  	v15 =	vshrl.u32 v2, $0x10;
	[tilespmem:v4+s11+$0x0] =	vst.idx.add.s32.msk $0xffff, v1  }
0x9a: {  	v3 =	vshrl.u32 v3, $0x10;
	[tilespmem:v9+s11+$0x0] =	vst.idx.add.s32.msk $0xffff, v1  }
0x9b: {  	v4 =	vshrl.u32 v5, $0x10;
	[tilespmem:v10+s11+$0x0] =	vst.idx.add.s32.msk $0xffff, v1  }
0x9c: {  	v9 =	vshrl.u32 v12, $0x10;
	v5 =	vld [tilespmem:s15+$0xFFFFFF90];
	v2 =	vshrl.u32 v11, $0x10  }
0x9d: {  	v10 =	vshrl.u32 v14, $0x10;
	[tilespmem:v13+s11+$0x0] =	vst.idx.add.s32.msk $0xffff, v1  }
0x9e: {  	v8 =	vshrl.u32 v8, $0x10;
	[tilespmem:v15+s11+$0x0] =	vst.idx.add.s32.msk $0xffff, v1  }
0x9f: {  	v7 =	vshrl.u32 v7, $0x10;
	[tilespmem:v3+s11+$0x0] =	vst.idx.add.s32.msk $0xffff, v1  }
0xa0: {  	v6 =	vshrl.u32 v6, $0x10;
	[tilespmem:v4+s11+$0x0] =	vst.idx.add.s32.msk $0xffff, v1  }
.Ltmp2:
0xa1: {  	v3 =	vshrl.u32 v5, $0x10;
	[tilespmem:v9+s11+$0x0] =	vst.idx.add.s32.msk $0xffff, v1;
	(pc) =	sbr.rel @p0 .LBB2_6-.Ltmp2, $4  }
0xa2: {  	[tilespmem:v10+s11+$0x0] =	vst.idx.add.s32.msk $0xffff, v1  }
0xa3: {  	[tilespmem:v8+s11+$0x0] =	vst.idx.add.s32.msk $0xffff, v1  }
0xa4: {  	[tilespmem:v7+s11+$0x0] =	vst.idx.add.s32.msk $0xffff, v1  }
0xa5: {  	[tilespmem:v6+s11+$0x0] =	vst.idx.add.s32.msk $0xffff, v1  }
0xa6: {  	_ =	sdelay $0x3  }
0xa7: {  	[tilespmem:v3+s11+$0x0] =	vst.idx.add.s32.msk $0xffff, v1  }
0xa8: {  	[tilespmem:v2+s11+$0x0] =	vst.idx.add.s32.msk $0xffff, v1  }
0xa9: {  	[tilespmem:s9], [sflag:$0x2] =	stream.linear.gather [hbm4b:s6+s2], $0x4000, $0x38;
	[tilespmem:$0x18000] =	vst v63  }
0xaa: {  	_ =	swait.ge [sflag:s10], $0x4000  }
0xab: {  	[sflag:s10] =	ssyncset.done $0x0  }
0xac: {  	s15 =	simm.s32 $0x80;
	[sflag:s10] =	ssyncadd.s32 $0xFFFFC000  }
0xad: {  	v2 =	vld [tilespmem:s15+$0x10]  }
0xae: {  	v3 =	vld [tilespmem:s15+$0x0]  }
0xaf: {  	v4 =	vld [tilespmem:s15+$0xFFFFFF80]  }
0xb0: {  	v5 =	vld [tilespmem:s15+$0x70]  }
0xb1: {  	v6 =	vld [tilespmem:s15+$0xFFFFFFA0]  }
0xb2: {  	v7 =	vld [tilespmem:s15+$0xFFFFFFB0]  }
0xb3: {  	v8 =	vld [tilespmem:s15+$0xFFFFFFC0]  }
0xb4: {  	v10 =	vld [tilespmem:s15+$0x50]  }
0xb5: {  	v11 =	vld [tilespmem:s15+$0x40];
	v4 =	vshrl.u32 v4, $0x10  }
0xb6: {  	v9 =	vld [tilespmem:s15+$0x60];
	v5 =	vshrl.u32 v5, $0x10  }
0xb7: {  	v12 =	vld [tilespmem:s15+$0x30]  }
0xb8: {  	v13 =	vld [tilespmem:s15+$0x20]  }
0xb9: {  	v14 =	vld [tilespmem:s15+$0xFFFFFFD0];
	v59 =	vshrl.u32 v10, $0x10  }
0xba: {  	v60 =	vshrl.u32 v11, $0x10;
	[tilespmem:v4+s11+$0x0] =	vst.idx.add.s32.msk $0xffff, v1  }
0xbb: {  	v4 =	vshrl.u32 v9, $0x10;
	[tilespmem:v5+s11+$0x0] =	vst.idx.add.s32.msk $0xffff, v1  }
0xbc: {  	v5 =	vld [tilespmem:s15+$0xFFFFFFF0]  }
0xbd: {  	v61 =	vld [tilespmem:s15+$0xFFFFFFE0];
	v2 =	vshrl.u32 v2, $0x10  }
0xbe: {  	v13 =	vshrl.u32 v13, $0x10;
	[tilespmem:v59+s11+$0x0] =	vst.idx.add.s32.msk $0xffff, v1  }
0xbf: {  	v3 =	vshrl.u32 v3, $0x10;
	[tilespmem:v60+s11+$0x0] =	vst.idx.add.s32.msk $0xffff, v1  }
0xc0: {  	v62 =	vshrl.u32 v12, $0x10;
	[tilespmem:v4+s11+$0x0] =	vst.idx.add.s32.msk $0xffff, v1  }
0xc1: {  	v63 =	vshrl.u32 v14, $0x10;
	v4 =	vshrl.u32 v5, $0x10;
	v5 =	vld [tilespmem:s15+$0xFFFFFF90]  }
0xc2: {  	[tilespmem:v2+s11+$0x0] =	vst.idx.add.s32.msk $0xffff, v1;
	v2 =	vshrl.u32 v7, $0x10  }
0xc3: {  	v8 =	vshrl.u32 v8, $0x10;
	[tilespmem:v13+s11+$0x0] =	vst.idx.add.s32.msk $0xffff, v1  }
0xc4: {  	v6 =	vshrl.u32 v6, $0x10;
	[tilespmem:v3+s11+$0x0] =	vst.idx.add.s32.msk $0xffff, v1  }
0xc5: {  	[tilespmem:v62+s11+$0x0] =	vst.idx.add.s32.msk $0xffff, v1  }
0xc6: {  	[tilespmem:v63+s11+$0x0] =	vst.idx.add.s32.msk $0xffff, v1;
	v3 =	vshrl.u32 v5, $0x10  }
0xc7: {  	[tilespmem:v2+s11+$0x0] =	vst.idx.add.s32.msk $0xffff, v1;
	v2 =	vshrl.u32 v61, $0x10  }
0xc8: {  	[tilespmem:v8+s11+$0x0] =	vst.idx.add.s32.msk $0xffff, v1  }
0xc9: {  	[tilespmem:v6+s11+$0x0] =	vst.idx.add.s32.msk $0xffff, v1  }
0xca: {  	s16 =	simm.s32 $0x0;
	[tilespmem:v4+s11+$0x0] =	vst.idx.add.s32.msk $0xffff, v1  }
.LBB2_8:
0xcb: {  	s16 =	sadd.s32 $0x10, s16;
	[tilespmem:v3+s11+$0x0] =	vst.idx.add.s32.msk $0xffff, v1;
	s15 =	sadd.s32 $0x100, s15  }
0xcc: {  	p0 =	slt.u32 s16, $0x3F0;
	[tilespmem:v2+s11+$0x0] =	vst.idx.add.s32.msk $0xffff, v1  }
0xcd: {  	v2 =	vld [tilespmem:s15+$0x10]  }
0xce: {  	v3 =	vld [tilespmem:s15+$0x0]  }
0xcf: {  	v4 =	vld [tilespmem:s15+$0xFFFFFF80]  }
0xd0: {  	v5 =	vld [tilespmem:s15+$0x70]  }
0xd1: {  	v6 =	vld [tilespmem:s15+$0xFFFFFFA0]  }
0xd2: {  	v7 =	vld [tilespmem:s15+$0xFFFFFFB0]  }
0xd3: {  	v8 =	vld [tilespmem:s15+$0xFFFFFFC0]  }
0xd4: {  	v4 =	vshrl.u32 v4, $0x10;
	v9 =	vld [tilespmem:s15+$0x60]  }
0xd5: {  	v10 =	vld [tilespmem:s15+$0x50];
	v5 =	vshrl.u32 v5, $0x10  }
0xd6: {  	v11 =	vld [tilespmem:s15+$0x40]  }
0xd7: {  	v12 =	vld [tilespmem:s15+$0x30]  }
0xd8: {  	v13 =	vld [tilespmem:s15+$0x20]  }
0xd9: {  	[tilespmem:v4+s11+$0x0] =	vst.idx.add.s32.msk $0xffff, v1;
	v4 =	vshrl.u32 v9, $0x10  }
0xda: {  	v9 =	vshrl.u32 v10, $0x10;
	[tilespmem:v5+s11+$0x0] =	vst.idx.add.s32.msk $0xffff, v1  }
0xdb: {  	v5 =	vld [tilespmem:s15+$0xFFFFFFF0];
	v10 =	vshrl.u32 v11, $0x10  }
0xdc: {  	v11 =	vld [tilespmem:s15+$0xFFFFFFE0]  }
0xdd: {  	v14 =	vld [tilespmem:s15+$0xFFFFFFD0];
	v13 =	vshrl.u32 v13, $0x10  }
0xde: {  	v15 =	vshrl.u32 v2, $0x10;
	[tilespmem:v4+s11+$0x0] =	vst.idx.add.s32.msk $0xffff, v1  }
0xdf: {  	v3 =	vshrl.u32 v3, $0x10;
	[tilespmem:v9+s11+$0x0] =	vst.idx.add.s32.msk $0xffff, v1  }
0xe0: {  	v4 =	vshrl.u32 v5, $0x10;
	[tilespmem:v10+s11+$0x0] =	vst.idx.add.s32.msk $0xffff, v1  }
0xe1: {  	v9 =	vshrl.u32 v12, $0x10;
	v5 =	vld [tilespmem:s15+$0xFFFFFF90];
	v2 =	vshrl.u32 v11, $0x10  }
0xe2: {  	v10 =	vshrl.u32 v14, $0x10;
	[tilespmem:v13+s11+$0x0] =	vst.idx.add.s32.msk $0xffff, v1  }
0xe3: {  	v8 =	vshrl.u32 v8, $0x10;
	[tilespmem:v15+s11+$0x0] =	vst.idx.add.s32.msk $0xffff, v1  }
0xe4: {  	v7 =	vshrl.u32 v7, $0x10;
	[tilespmem:v3+s11+$0x0] =	vst.idx.add.s32.msk $0xffff, v1  }
0xe5: {  	v6 =	vshrl.u32 v6, $0x10;
	[tilespmem:v4+s11+$0x0] =	vst.idx.add.s32.msk $0xffff, v1  }
.Ltmp3:
0xe6: {  	v3 =	vshrl.u32 v5, $0x10;
	[tilespmem:v9+s11+$0x0] =	vst.idx.add.s32.msk $0xffff, v1;
	(pc) =	sbr.rel @p0 .LBB2_8-.Ltmp3, $4  }
0xe7: {  	[tilespmem:v10+s11+$0x0] =	vst.idx.add.s32.msk $0xffff, v1  }
0xe8: {  	[tilespmem:v8+s11+$0x0] =	vst.idx.add.s32.msk $0xffff, v1  }
0xe9: {  	[tilespmem:v7+s11+$0x0] =	vst.idx.add.s32.msk $0xffff, v1  }
0xea: {  	[tilespmem:v6+s11+$0x0] =	vst.idx.add.s32.msk $0xffff, v1  }
0xeb: {  	_ =	sdelay $0x3  }
0xec: {  	[tilespmem:v3+s11+$0x0] =	vst.idx.add.s32.msk $0xffff, v1  }
0xed: {  	[tilespmem:v2+s11+$0x0] =	vst.idx.add.s32.msk $0xffff, v1  }
0xee: {  	_ =	swait.ge [sflag:s12], $0x4000  }
0xef: {  	[sflag:s12] =	ssyncset.done $0x0  }
0xf0: {  	s15 =	simm.s32 $0x4080;
	[sflag:s12] =	ssyncadd.s32 $0xFFFFC000  }
0xf1: {  	v2 =	vld [tilespmem:s15+$0x10]  }
0xf2: {  	v3 =	vld [tilespmem:s15+$0x0]  }
0xf3: {  	v4 =	vld [tilespmem:s15+$0xFFFFFF80]  }
0xf4: {  	v5 =	vld [tilespmem:s15+$0x70]  }
0xf5: {  	v6 =	vld [tilespmem:s15+$0xFFFFFFA0]  }
0xf6: {  	v7 =	vld [tilespmem:s15+$0xFFFFFFB0]  }
0xf7: {  	v8 =	vld [tilespmem:s15+$0xFFFFFFC0]  }
0xf8: {  	v10 =	vld [tilespmem:s15+$0x50]  }
0xf9: {  	v11 =	vld [tilespmem:s15+$0x40];
	v4 =	vshrl.u32 v4, $0x10  }
0xfa: {  	v9 =	vld [tilespmem:s15+$0x60];
	v5 =	vshrl.u32 v5, $0x10  }
0xfb: {  	v12 =	vld [tilespmem:s15+$0x30]  }
0xfc: {  	v13 =	vld [tilespmem:s15+$0x20]  }
0xfd: {  	v14 =	vld [tilespmem:s15+$0xFFFFFFD0];
	v59 =	vshrl.u32 v10, $0x10  }
0xfe: {  	v60 =	vshrl.u32 v11, $0x10;
	[tilespmem:v4+s11+$0x0] =	vst.idx.add.s32.msk $0xffff, v1  }
0xff: {  	v4 =	vshrl.u32 v9, $0x10;
	[tilespmem:v5+s11+$0x0] =	vst.idx.add.s32.msk $0xffff, v1  }
0x100: {  	v5 =	vld [tilespmem:s15+$0xFFFFFFF0]  }
0x101: {  	v61 =	vld [tilespmem:s15+$0xFFFFFFE0];
	v2 =	vshrl.u32 v2, $0x10  }
0x102: {  	v13 =	vshrl.u32 v13, $0x10;
	[tilespmem:v59+s11+$0x0] =	vst.idx.add.s32.msk $0xffff, v1  }
0x103: {  	v3 =	vshrl.u32 v3, $0x10;
	[tilespmem:v60+s11+$0x0] =	vst.idx.add.s32.msk $0xffff, v1  }
0x104: {  	v62 =	vshrl.u32 v12, $0x10;
	[tilespmem:v4+s11+$0x0] =	vst.idx.add.s32.msk $0xffff, v1  }
0x105: {  	v63 =	vshrl.u32 v14, $0x10;
	v4 =	vshrl.u32 v5, $0x10;
	v5 =	vld [tilespmem:s15+$0xFFFFFF90]  }
0x106: {  	[tilespmem:v2+s11+$0x0] =	vst.idx.add.s32.msk $0xffff, v1;
	v2 =	vshrl.u32 v7, $0x10  }
0x107: {  	v8 =	vshrl.u32 v8, $0x10;
	[tilespmem:v13+s11+$0x0] =	vst.idx.add.s32.msk $0xffff, v1  }
0x108: {  	v6 =	vshrl.u32 v6, $0x10;
	[tilespmem:v3+s11+$0x0] =	vst.idx.add.s32.msk $0xffff, v1  }
0x109: {  	[tilespmem:v62+s11+$0x0] =	vst.idx.add.s32.msk $0xffff, v1  }
0x10a: {  	[tilespmem:v63+s11+$0x0] =	vst.idx.add.s32.msk $0xffff, v1;
	v3 =	vshrl.u32 v5, $0x10  }
0x10b: {  	[tilespmem:v2+s11+$0x0] =	vst.idx.add.s32.msk $0xffff, v1;
	v2 =	vshrl.u32 v61, $0x10  }
0x10c: {  	[tilespmem:v8+s11+$0x0] =	vst.idx.add.s32.msk $0xffff, v1  }
0x10d: {  	[tilespmem:v6+s11+$0x0] =	vst.idx.add.s32.msk $0xffff, v1  }
0x10e: {  	s16 =	simm.s32 $0x0;
	[tilespmem:v4+s11+$0x0] =	vst.idx.add.s32.msk $0xffff, v1  }
.LBB2_10:
0x10f: {  	s16 =	sadd.s32 $0x10, s16;
	[tilespmem:v3+s11+$0x0] =	vst.idx.add.s32.msk $0xffff, v1;
	s15 =	sadd.s32 $0x100, s15  }
0x110: {  	p0 =	slt.u32 s16, $0x3F0;
	[tilespmem:v2+s11+$0x0] =	vst.idx.add.s32.msk $0xffff, v1  }
0x111: {  	v2 =	vld [tilespmem:s15+$0x10]  }
0x112: {  	v3 =	vld [tilespmem:s15+$0x0]  }
0x113: {  	v4 =	vld [tilespmem:s15+$0xFFFFFF80]  }
0x114: {  	v5 =	vld [tilespmem:s15+$0x70]  }
0x115: {  	v6 =	vld [tilespmem:s15+$0xFFFFFFA0]  }
0x116: {  	v7 =	vld [tilespmem:s15+$0xFFFFFFB0]  }
0x117: {  	v8 =	vld [tilespmem:s15+$0xFFFFFFC0]  }
0x118: {  	v4 =	vshrl.u32 v4, $0x10;
	v9 =	vld [tilespmem:s15+$0x60]  }
0x119: {  	v10 =	vld [tilespmem:s15+$0x50];
	v5 =	vshrl.u32 v5, $0x10  }
0x11a: {  	v11 =	vld [tilespmem:s15+$0x40]  }
0x11b: {  	v12 =	vld [tilespmem:s15+$0x30]  }
0x11c: {  	v13 =	vld [tilespmem:s15+$0x20]  }
0x11d: {  	[tilespmem:v4+s11+$0x0] =	vst.idx.add.s32.msk $0xffff, v1;
	v4 =	vshrl.u32 v9, $0x10  }
0x11e: {  	v9 =	vshrl.u32 v10, $0x10;
	[tilespmem:v5+s11+$0x0] =	vst.idx.add.s32.msk $0xffff, v1  }
0x11f: {  	v5 =	vld [tilespmem:s15+$0xFFFFFFF0];
	v10 =	vshrl.u32 v11, $0x10  }
0x120: {  	v11 =	vld [tilespmem:s15+$0xFFFFFFE0]  }
0x121: {  	v14 =	vld [tilespmem:s15+$0xFFFFFFD0];
	v13 =	vshrl.u32 v13, $0x10  }
0x122: {  	v15 =	vshrl.u32 v2, $0x10;
	[tilespmem:v4+s11+$0x0] =	vst.idx.add.s32.msk $0xffff, v1  }
0x123: {  	v3 =	vshrl.u32 v3, $0x10;
	[tilespmem:v9+s11+$0x0] =	vst.idx.add.s32.msk $0xffff, v1  }
0x124: {  	v4 =	vshrl.u32 v5, $0x10;
	[tilespmem:v10+s11+$0x0] =	vst.idx.add.s32.msk $0xffff, v1  }
0x125: {  	v9 =	vshrl.u32 v12, $0x10;
	v5 =	vld [tilespmem:s15+$0xFFFFFF90];
	v2 =	vshrl.u32 v11, $0x10  }
0x126: {  	v10 =	vshrl.u32 v14, $0x10;
	[tilespmem:v13+s11+$0x0] =	vst.idx.add.s32.msk $0xffff, v1  }
0x127: {  	v8 =	vshrl.u32 v8, $0x10;
	[tilespmem:v15+s11+$0x0] =	vst.idx.add.s32.msk $0xffff, v1  }
0x128: {  	v7 =	vshrl.u32 v7, $0x10;
	[tilespmem:v3+s11+$0x0] =	vst.idx.add.s32.msk $0xffff, v1  }
0x129: {  	v6 =	vshrl.u32 v6, $0x10;
	[tilespmem:v4+s11+$0x0] =	vst.idx.add.s32.msk $0xffff, v1  }
.Ltmp4:
0x12a: {  	v3 =	vshrl.u32 v5, $0x10;
	[tilespmem:v9+s11+$0x0] =	vst.idx.add.s32.msk $0xffff, v1;
	(pc) =	sbr.rel @p0 .LBB2_10-.Ltmp4, $4  }
0x12b: {  	[tilespmem:v10+s11+$0x0] =	vst.idx.add.s32.msk $0xffff, v1  }
0x12c: {  	[tilespmem:v8+s11+$0x0] =	vst.idx.add.s32.msk $0xffff, v1  }
0x12d: {  	[tilespmem:v7+s11+$0x0] =	vst.idx.add.s32.msk $0xffff, v1  }
0x12e: {  	[tilespmem:v6+s11+$0x0] =	vst.idx.add.s32.msk $0xffff, v1  }
0x12f: {  	_ =	sdelay $0x2  }
0x130: {  	s14 =	sadd.s32 $0x1, s14  }
0x131: {  	[tilespmem:v3+s11+$0x0] =	vst.idx.add.s32.msk $0xffff, v1;
	p0 =	sne.s32 s14, s8  }
.Ltmp5:
0x132: {  	[tilespmem:v2+s11+$0x0] =	vst.idx.add.s32.msk $0xffff, v1;
	(pc) =	sbr.rel @p0 .LBB2_1-.Ltmp5, $4  }
0x133: {  	[hbm4b:s7+s2] =	stream.linear.scatter [tilespmem:s11], [sflag:$0x3], $0x10000, $0x38;
	[tilespmem:$0x18000] =	vst v63  }
0x134: {  	_ =	swait.ge [sflag:s13], $0x10000  }
0x135: {  	[sflag:s13] =	ssyncset.done $0x0  }
0x136: {  	[sflag:s13] =	ssyncadd.s32 $0xFFFF0000  }
0x137: {  	_ =	sfence.sel $0x180000  }
0x138: {  	[bflag:$0x0] =	sbarrier.arrive $0xFFFF  }
0x139: {  	p0 =	sne.s32 s1, $0x0;
	_ =	strace $0x90000047  }
0x13a: {  	s0 =	sadd.s32 @!p0 $0x100000, s0;
	[bflag:$0x2] =	sbarrier.arrive $0xFFFF  }
0x13b: {  	[sflag:s0] =	ssyncadd.tile.s32 @!p0 $0x1;
	_ =	shalt  }
.Lfunc_end2:
_tile_overlayer_lowered:
.L_overlay_start_2:
0x13c: {  	(tag) =	ssettag $0x2  }
0x13d: {  	s0 =	rddreg [dreg:$0x0];
	s2 =	stileid.u32  }
0x13e: {  	s1 =	rddreg [dreg:$0x1];
	p0 =	sne.s32 s2, $0x0  }
0x13f: {  	s3 =	rddreg [dreg:$0x2];
	[bflag:$0x3] =	sbarrier.arrive $0xFFFF;
	s2 =	simm.s32 @!p0 $0x1C03  }
0x140: {  	[timem:s3], [sflag:s2] =	dma.local @!p0 [hbm:s0], s1  }
0x141: {  	s0 =	simm.s32 @!p0 $0x3  }
0x142: {  	_ =	swait.ge @!p0 [sflag:s0], s1  }
0x143: {  	s1 =	ssub.s32 @!p0 $0x0, s1;
	[sflag:s0] =	ssyncset.done @!p0 $0x0  }
0x144: {  	[sflag:s0] =	ssyncadd.s32 @!p0 s1  }
0x145: {  	[bflag:$0x3] =	sbarrier.arrive $0xFFFF  }
0x146: {  	_ =	shalt  }

</sc_bundles>
